<compile_context>
chip_gen: v7x
topology: tpu7x:2x2x1
jax: 0.10.2.dev20260603
libtpu: 0.0.44.dev20260713+nightly
codegen_flags: <defaults>
</compile_context>

<pallas_src>
import functools

import jax
import jax.numpy as jnp
from jax import lax
from jax.experimental import pallas as pl
from jax.experimental.pallas import tpu as pltpu
from jax.experimental.pallas import tpu_sc as plsc

N = 10000
E0 = 320000
ET = E0 + N
NODE_DIM = 48
HD = 128
EDGE_DIM = 32
GLOBAL_DIM = 32
EPG = 32000
NPG = 1000
CNT = float(EPG + NPG)

NW = 32
CHUNK = 128
CPW = 88
NCH = NW * CPW
EPAD = NCH * CHUNK

BLK = 3072
NBLK = -(-ET // BLK)

_EPS = 1e-5


def _ln_rows(v, g, b):
    mu = jnp.mean(v, axis=-1, keepdims=True)
    var = jnp.mean(v * v, axis=-1, keepdims=True) - mu * mu
    return (v - mu) * jax.lax.rsqrt(var + _EPS) * g + b


def _node_body(x_ref, aid_ref, sid_ref, aemb_ref, semb_ref,
               lncg_ref, lncb_ref, wp1_ref, bp1_ref, wp2_ref, bp2_ref,
               wd_ref, bd_ref, lnng_ref, lnnb_ref, h_ref):
    x = x_ref[...]
    h = _ln_rows(x, lncg_ref[...], lncb_ref[...])
    h = jnp.maximum(jnp.dot(h, wp1_ref[...], preferred_element_type=jnp.float32) + bp1_ref[...], 0.0)
    h = jnp.maximum(jnp.dot(h, wp2_ref[...], preferred_element_type=jnp.float32) + bp2_ref[...], 0.0)
    h = jnp.maximum(jnp.dot(h, wd_ref[...], preferred_element_type=jnp.float32) + bd_ref[...], 0.0)
    rows = x.shape[0]
    aid = aid_ref[...]
    sid = sid_ref[...]
    na = aemb_ref.shape[0]
    ns = semb_ref.shape[0]
    aoh = (aid == lax.broadcasted_iota(jnp.int32, (rows, na), 1)).astype(jnp.float32)
    soh = (sid == lax.broadcasted_iota(jnp.int32, (rows, ns), 1)).astype(jnp.float32)
    a_e = jnp.dot(aoh, aemb_ref[...], preferred_element_type=jnp.float32)
    s_e = jnp.dot(soh, semb_ref[...], preferred_element_type=jnp.float32)
    h_ref[...] = _ln_rows(h + a_e + s_e, lnng_ref[...], lnnb_ref[...])


def _node_init(x, atom_ids, aa_ids, atom_emb, aa_emb,
               ln_c_g, ln_c_b, W_p1, b_p1, W_p2, b_p2, W_d, b_d, ln_n_g, ln_n_b):
    nb = 10
    rows = N // nb
    full = lambda s: pl.BlockSpec(s, lambda b: (0, 0))
    return pl.pallas_call(
        _node_body,
        grid=(nb,),
        in_specs=[
            pl.BlockSpec((rows, 3), lambda b: (b, 0)),
            pl.BlockSpec((rows, 1), lambda b: (b, 0)),
            pl.BlockSpec((rows, 1), lambda b: (b, 0)),
            full(atom_emb.shape), full(aa_emb.shape),
            full((1, 3)), full((1, 3)),
            full(W_p1.shape), full((1, 12)),
            full(W_p2.shape), full((1, 48)),
            full(W_d.shape), full((1, 48)),
            full((1, 48)), full((1, 48)),
        ],
        out_specs=pl.BlockSpec((rows, NODE_DIM), lambda b: (b, 0)),
        out_shape=jax.ShapeDtypeStruct((N, NODE_DIM), jnp.float32),
    )(x, atom_ids.reshape(N, 1).astype(jnp.int32), aa_ids.reshape(N, 1).astype(jnp.int32),
      atom_emb, aa_emb,
      ln_c_g.reshape(1, 3), ln_c_b.reshape(1, 3),
      W_p1, b_p1.reshape(1, 12), W_p2, b_p2.reshape(1, 48),
      W_d, b_d.reshape(1, 48), ln_n_g.reshape(1, 48), ln_n_b.reshape(1, 48))


def _sc_gather(h, idx0, idx1):
    mesh = plsc.VectorSubcoreMesh(core_axis_name="c", subcore_axis_name="s")

    @functools.partial(
        pl.kernel,
        out_type=[jax.ShapeDtypeStruct((EPAD, HD), jnp.float32),
                  jax.ShapeDtypeStruct((EPAD, HD), jnp.float32)],
        mesh=mesh,
        scratch_types=[
            pltpu.VMEM((CPW, CHUNK), jnp.int32),
            pltpu.VMEM((CPW, CHUNK), jnp.int32),
            pltpu.VMEM((CHUNK, NODE_DIM), jnp.float32),
            pltpu.VMEM((CHUNK, NODE_DIM), jnp.float32),
            pltpu.VMEM((CHUNK, NODE_DIM), jnp.float32),
            pltpu.VMEM((CHUNK, NODE_DIM), jnp.float32),
            pltpu.VMEM_SHARED((N, NODE_DIM), jnp.float32),
            pltpu.SemaphoreType.DMA,
            pltpu.SemaphoreType.DMA,
            pltpu.SemaphoreType.DMA,
            pltpu.SemaphoreType.DMA,
        ],
        compiler_params=pltpu.CompilerParams(use_tc_tiling_on_sc=False),
    )
    def k(h_hbm, i0_hbm, i1_hbm, hr_hbm, hc_hbm, i0v, i1v,
          ar, ac, br, bc, hs, sar, sac, sbr, sbc):
        wid = lax.axis_index("s") * 2 + lax.axis_index("c")
        cbase = wid * CPW
        @pl.when(lax.axis_index("s") == 0)
        def _():
            pltpu.sync_copy(h_hbm, hs)

        pltpu.sync_copy(i0_hbm.at[wid], i0v)
        pltpu.sync_copy(i1_hbm.at[wid], i1v)
        plsc.subcore_barrier()

        def gather(j, bufr, bufc, semr, semc):
            pltpu.async_copy(hs.at[i0v.at[j]], bufr, semr)
            pltpu.async_copy(hs.at[i1v.at[j]], bufc, semc)

        def wait(bufr, bufc, semr, semc):
            pltpu.make_async_copy(hs.at[i0v.at[0]], bufr, semr).wait()
            pltpu.make_async_copy(hs.at[i1v.at[0]], bufc, semc).wait()

        def write(j, bufr, bufc):
            dst = pl.ds((cbase + j) * CHUNK, CHUNK)
            pltpu.sync_copy(bufr, hr_hbm.at[dst, pl.ds(0, NODE_DIM)])
            pltpu.sync_copy(bufc, hc_hbm.at[dst, pl.ds(0, NODE_DIM)])

        gather(0, ar, ac, sar, sac)

        def body(i2, carry):
            j = i2 * 2
            gather(j + 1, br, bc, sbr, sbc)
            wait(ar, ac, sar, sac)
            write(j, ar, ac)
            gather(j + 2, ar, ac, sar, sac)
            wait(br, bc, sbr, sbc)
            write(j + 1, br, bc)
            return carry

        lax.fori_loop(0, (CPW - 2) // 2, body, 0, unroll=False)
        j = CPW - 2
        gather(j + 1, br, bc, sbr, sbc)
        wait(ar, ac, sar, sac)
        write(j, ar, ac)
        wait(br, bc, sbr, sbc)
        write(j + 1, br, bc)

    return k(h, idx0, idx1)


def _edge_attr_blk(hr, hc, we, be, lneg, lneb):
    her = jnp.maximum(jnp.dot(hr, we, preferred_element_type=jnp.float32) + be, 0.0)
    hec = jnp.maximum(jnp.dot(hc, we, preferred_element_type=jnp.float32) + be, 0.0)
    return _ln_rows((her + hec) * 0.5, lneg, lneb)


def _rowids(b, axis):
    if axis == 0:
        return lax.broadcasted_iota(jnp.int32, (BLK, 16), 0) + b * BLK
    return lax.broadcasted_iota(jnp.int32, (16, BLK), 1) + b * BLK


def _gid(rid):
    g = jnp.where(rid < E0, rid // EPG, (rid - E0) // NPG)
    return jnp.where(rid < ET, g, -1)


def _pass1_body(hr_ref, hc_ref, we_ref, be_ref, lneg_ref, lneb_ref,
                wg_ref, bg_ref, psum_ref):
    b = pl.program_id(0)
    ea = _edge_attr_blk(hr_ref[:, :NODE_DIM], hc_ref[:, :NODE_DIM],
                        we_ref[...], be_ref[...],
                        lneg_ref[...], lneb_ref[...])
    eg = jnp.maximum(jnp.dot(ea, wg_ref[...], preferred_element_type=jnp.float32) + bg_ref[...], 0.0)
    ohT = (_gid(_rowids(b, 1)) == lax.broadcasted_iota(jnp.int32, (16, BLK), 0)
           ).astype(jnp.float32)
    part = jnp.dot(ohT, eg, preferred_element_type=jnp.float32)

    @pl.when(b == 0)
    def _():
        psum_ref[...] = jnp.zeros_like(psum_ref)

    psum_ref[...] += part


def _pass1(hr, hc, W_e128, b_e, ln_e_g, ln_e_b, W_g, b_g):
    full = lambda s: pl.BlockSpec(s, lambda b: (0, 0))
    return pl.pallas_call(
        _pass1_body,
        grid=(NBLK,),
        in_specs=[
            pl.BlockSpec((BLK, HD), lambda b: (b, 0)),
            pl.BlockSpec((BLK, HD), lambda b: (b, 0)),
            full((NODE_DIM, EDGE_DIM)), full((1, EDGE_DIM)),
            full((1, EDGE_DIM)), full((1, EDGE_DIM)),
            full(W_g.shape), full((1, GLOBAL_DIM)),
        ],
        out_specs=pl.BlockSpec((16, GLOBAL_DIM), lambda b: (0, 0)),
        out_shape=jax.ShapeDtypeStruct((16, GLOBAL_DIM), jnp.float32),
    )(hr, hc, W_e128, b_e.reshape(1, EDGE_DIM), ln_e_g.reshape(1, EDGE_DIM),
      ln_e_b.reshape(1, EDGE_DIM), W_g, b_g.reshape(1, GLOBAL_DIM))


def _pass2_body(hr_ref, hc_ref, ps_ref, we_ref, be_ref, lneg_ref, lneb_ref,
                lnug_ref, lnub_ref, wa_ref, wb_ref, wc_ref, wd_ref, bm1_ref,
                wm2_ref, bm2_ref, lnog_ref, lnob_ref, out_ref):
    b = pl.program_id(0)
    u = _ln_rows(ps_ref[...] * (1.0 / CNT), lnug_ref[...], lnub_ref[...])
    oh = (_gid(_rowids(b, 0)) == lax.broadcasted_iota(jnp.int32, (BLK, 16), 1)
          ).astype(jnp.float32)
    usel = jnp.dot(oh, u, preferred_element_type=jnp.float32)

    bf = jnp.bfloat16
    hr = hr_ref[:, :NODE_DIM].astype(bf)
    hc = hc_ref[:, :NODE_DIM].astype(bf)
    ea = _edge_attr_blk(hr, hc, we_ref[...].astype(bf), be_ref[...],
                        lneg_ref[...], lneb_ref[...])
    t = (jnp.dot(hr, wa_ref[...].astype(bf), preferred_element_type=jnp.float32)
         + jnp.dot(hc, wb_ref[...].astype(bf), preferred_element_type=jnp.float32)
         + jnp.dot(ea.astype(bf), wc_ref[...].astype(bf), preferred_element_type=jnp.float32)
         + jnp.dot(usel.astype(bf), wd_ref[...].astype(bf), preferred_element_type=jnp.float32)
         + bm1_ref[...])
    t = jnp.maximum(t, 0.0).astype(bf)
    o = jnp.dot(t, wm2_ref[...].astype(bf), preferred_element_type=jnp.float32) + bm2_ref[...] + ea
    out_ref[...] = _ln_rows(o, lnog_ref[...], lnob_ref[...]).T


def _pass2(hr, hc, psums, W_e128, b_e, ln_e_g, ln_e_b, ln_u_g, ln_u_b,
           wa, wb, wc, wd, b_m1, W_m2, b_m2, ln_o_g, ln_o_b):
    full = lambda s: pl.BlockSpec(s, lambda b: (0, 0))
    h1 = wa.shape[1]
    return pl.pallas_call(
        _pass2_body,
        grid=(NBLK,),
        in_specs=[
            pl.BlockSpec((BLK, HD), lambda b: (b, 0)),
            pl.BlockSpec((BLK, HD), lambda b: (b, 0)),
            full((16, GLOBAL_DIM)),
            full((NODE_DIM, EDGE_DIM)), full((1, EDGE_DIM)),
            full((1, EDGE_DIM)), full((1, EDGE_DIM)),
            full((1, GLOBAL_DIM)), full((1, GLOBAL_DIM)),
            full((NODE_DIM, h1)), full((NODE_DIM, h1)),
            full((EDGE_DIM, h1)), full((GLOBAL_DIM, h1)),
            full((1, h1)),
            full(W_m2.shape), full((1, EDGE_DIM)),
            full((1, EDGE_DIM)), full((1, EDGE_DIM)),
        ],
        out_specs=pl.BlockSpec((EDGE_DIM, BLK), lambda b: (0, b)),
        out_shape=jax.ShapeDtypeStruct((EDGE_DIM, ET), jnp.float32),
    )(hr, hc, psums, W_e128, b_e.reshape(1, EDGE_DIM), ln_e_g.reshape(1, EDGE_DIM),
      ln_e_b.reshape(1, EDGE_DIM), ln_u_g.reshape(1, GLOBAL_DIM),
      ln_u_b.reshape(1, GLOBAL_DIM), wa, wb, wc, wd, b_m1.reshape(1, h1),
      W_m2, b_m2.reshape(1, EDGE_DIM), ln_o_g.reshape(1, EDGE_DIM),
      ln_o_b.reshape(1, EDGE_DIM))


def kernel(x, atom_ids, aa_ids, edge_index, ln_c_g, ln_c_b, W_p1, b_p1, W_p2, b_p2,
           W_d, b_d, atom_emb, aa_emb, ln_n_g, ln_n_b, W_e, b_e, ln_e_g, ln_e_b,
           W_g, b_g, ln_u_g, ln_u_b, W_m1, b_m1, W_m2, b_m2, ln_o_g, ln_o_b):
    h = _node_init(x, atom_ids, aa_ids, atom_emb, aa_emb,
                   ln_c_g, ln_c_b, W_p1, b_p1, W_p2, b_p2, W_d, b_d, ln_n_g, ln_n_b)

    loops = jnp.arange(N, dtype=jnp.int32)
    pad = jnp.zeros((EPAD - ET,), jnp.int32)
    ei0 = jnp.concatenate([edge_index[0].astype(jnp.int32), loops, pad]).reshape(NW, CPW, CHUNK)
    ei1 = jnp.concatenate([edge_index[1].astype(jnp.int32), loops, pad]).reshape(NW, CPW, CHUNK)

    hr, hc = _sc_gather(h, ei0, ei1)

    wa = W_m1[:NODE_DIM]
    wb = W_m1[NODE_DIM:2 * NODE_DIM]
    wc = W_m1[2 * NODE_DIM:2 * NODE_DIM + EDGE_DIM]
    wd = W_m1[2 * NODE_DIM + EDGE_DIM:]

    psums = _pass1(hr, hc, W_e, b_e, ln_e_g, ln_e_b, W_g, b_g)
    out_t = _pass2(hr, hc, psums, W_e, b_e, ln_e_g, ln_e_b, ln_u_g, ln_u_b,
                   wa, wb, wc, wd, b_m1, W_m2, b_m2, ln_o_g, ln_o_b)
    return out_t.T

# --- scband reference (transcript-rebuilt; emitter-appended) ---
"""Pipeline reference for scband-graph-net-53730040873195 (READ-ONLY COPY).

The authoritative reference and input builder live on the scoring server;
editing this copy changes nothing except your own understanding.
"""

import jax, jax.numpy as jnp
import numpy as np

NUM_ATOM = 100
NUM_AA = 30
COORD_DIM = 3
NODE_DIM = 48
EDGE_DIM = 32
GLOBAL_DIM = 32
B = 10
N_PER = 1000
N = B * N_PER
E = 320000


def _ln(x, g, b, eps=1e-5):
    mu = jnp.mean(x, axis=-1, keepdims=True)
    var = jnp.var(x, axis=-1, keepdims=True)
    return (x - mu) / jnp.sqrt(var + eps) * g + b


def setup_inputs(seed: int = 0) -> dict:
    key = jax.random.key(seed)
    ks = jax.random.split(key, 16)

    def lin(k, fi, fo):
        return (jax.random.normal(k, (fi, fo), dtype=jnp.float32) / np.sqrt(fi)).astype(jnp.float32)

    inp = {}
    inp["x"] = jax.random.normal(ks[0], (N, COORD_DIM), dtype=jnp.float32)
    inp["atom_ids"] = jax.random.randint(ks[1], (B, N_PER), 0, NUM_ATOM)
    inp["aa_ids"] = jax.random.randint(ks[2], (B, N_PER), 0, NUM_AA)
    inp["edge_index"] = jax.random.randint(ks[3], (2, E), 0, N)
    # NodeInit params
    inp["ln_c_g"] = jnp.ones((COORD_DIM,), jnp.float32)
    inp["ln_c_b"] = jnp.zeros((COORD_DIM,), jnp.float32)
    inp["W_p1"] = lin(ks[4], COORD_DIM, 4 * COORD_DIM)
    inp["b_p1"] = jnp.zeros((4 * COORD_DIM,), jnp.float32)
    inp["W_p2"] = lin(ks[5], 4 * COORD_DIM, 16 * COORD_DIM)
    inp["b_p2"] = jnp.zeros((16 * COORD_DIM,), jnp.float32)
    inp["W_d"] = lin(ks[6], NODE_DIM, NODE_DIM)
    inp["b_d"] = jnp.zeros((NODE_DIM,), jnp.float32)
    inp["atom_emb"] = 0.1 * jax.random.normal(ks[7], (NUM_ATOM, NODE_DIM), dtype=jnp.float32)
    inp["aa_emb"] = 0.1 * jax.random.normal(ks[8], (NUM_AA, NODE_DIM), dtype=jnp.float32)
    inp["ln_n_g"] = jnp.ones((NODE_DIM,), jnp.float32)
    inp["ln_n_b"] = jnp.zeros((NODE_DIM,), jnp.float32)
    # EdgeInit params
    inp["W_e"] = lin(ks[9], NODE_DIM, EDGE_DIM)
    inp["b_e"] = jnp.zeros((EDGE_DIM,), jnp.float32)
    inp["ln_e_g"] = jnp.ones((EDGE_DIM,), jnp.float32)
    inp["ln_e_b"] = jnp.zeros((EDGE_DIM,), jnp.float32)
    # GlobalInit params
    inp["W_g"] = lin(ks[10], EDGE_DIM, GLOBAL_DIM)
    inp["b_g"] = jnp.zeros((GLOBAL_DIM,), jnp.float32)
    inp["ln_u_g"] = jnp.ones((GLOBAL_DIM,), jnp.float32)
    inp["ln_u_b"] = jnp.zeros((GLOBAL_DIM,), jnp.float32)
    # EdgeUpdate params
    cat_dim = 2 * NODE_DIM + EDGE_DIM + GLOBAL_DIM
    inp["W_m1"] = lin(ks[11], cat_dim, 4 * EDGE_DIM)
    inp["b_m1"] = jnp.zeros((4 * EDGE_DIM,), jnp.float32)
    inp["W_m2"] = lin(ks[12], 4 * EDGE_DIM, EDGE_DIM)
    inp["b_m2"] = jnp.zeros((EDGE_DIM,), jnp.float32)
    inp["ln_o_g"] = jnp.ones((EDGE_DIM,), jnp.float32)
    inp["ln_o_b"] = jnp.zeros((EDGE_DIM,), jnp.float32)
    return inp


def _forward(x, atom_ids, aa_ids, edge_index, ln_c_g, ln_c_b, W_p1, b_p1, W_p2, b_p2, W_d, b_d,
             atom_emb, aa_emb, ln_n_g, ln_n_b, W_e, b_e, ln_e_g, ln_e_b, W_g, b_g,
             ln_u_g, ln_u_b, W_m1, b_m1, W_m2, b_m2, ln_o_g, ln_o_b):
    Bb, Nper = atom_ids.shape
    Ntot = x.shape[0]
    E0 = edge_index.shape[1]
    # add self-loops (appended at end, PyG convention)
    loops = jnp.arange(Ntot, dtype=edge_index.dtype)
    ei = jnp.concatenate([edge_index, jnp.stack([loops, loops])], axis=1)
    # batch vector: per-edge graph ids then per-node graph ids (matches InputsInit.get_batch)
    batch = jnp.concatenate([
        jnp.repeat(jnp.arange(Bb), E0 // Bb),
        jnp.repeat(jnp.arange(Bb), Nper),
    ])
    # NodeInit
    h = _ln(x, ln_c_g, ln_c_b)
    h = jax.nn.relu(h @ W_p1 + b_p1)
    h = jax.nn.relu(h @ W_p2 + b_p2)
    h = jax.nn.relu(h @ W_d + b_d)
    a_e = jnp.take(atom_emb, atom_ids, axis=0).reshape(-1, atom_emb.shape[-1])
    s_e = jnp.take(aa_emb, aa_ids, axis=0).reshape(-1, aa_emb.shape[-1])
    h = _ln(h + a_e + s_e, ln_n_g, ln_n_b)
    # EdgeInit
    he = jax.nn.relu(h @ W_e + b_e)
    row, col = ei[0], ei[1]
    edge_attr = _ln((jnp.take(he, row, axis=0) + jnp.take(he, col, axis=0)) * 0.5, ln_e_g, ln_e_b)
    # GlobalInit (scatter-mean over per-edge graph ids)
    eg = jax.nn.relu(edge_attr @ W_g + b_g)
    sums = jax.ops.segment_sum(eg, batch, num_segments=Bb)
    cnt = jax.ops.segment_sum(jnp.ones((eg.shape[0],), dtype=eg.dtype), batch, num_segments=Bb)
    u = _ln(sums / cnt[:, None], ln_u_g, ln_u_b)
    # EdgeUpdate (one MetaLayer edge step)
    inp = jnp.concatenate([jnp.take(h, row, axis=0), jnp.take(h, col, axis=0), edge_attr, jnp.take(u, batch, axis=0)], axis=1)
    out = jax.nn.relu(inp @ W_m1 + b_m1) @ W_m2 + b_m2
    out = _ln(out + edge_attr, ln_o_g, ln_o_b)
    return out


def reference(x, atom_ids, aa_ids, edge_index, ln_c_g, ln_c_b, W_p1, b_p1, W_p2, b_p2,
              W_d, b_d, atom_emb, aa_emb, ln_n_g, ln_n_b, W_e, b_e, ln_e_g, ln_e_b,
              W_g, b_g, ln_u_g, ln_u_b, W_m1, b_m1, W_m2, b_m2, ln_o_g, ln_o_b):
    return _forward(
        x, atom_ids, aa_ids, edge_index,
        ln_c_g, ln_c_b, W_p1, b_p1, W_p2, b_p2,
        W_d, b_d, atom_emb, aa_emb, ln_n_g, ln_n_b,
        W_e, b_e, ln_e_g, ln_e_b, W_g, b_g,
        ln_u_g, ln_u_b, W_m1, b_m1, W_m2, b_m2,
        ln_o_g, ln_o_b,
    )

if __name__ == "__main__":
    import jax
    _d = setup_inputs()
    print(jax.jit(kernel)(*tuple(_d.values())))

</pallas_src>

<mosaic_0001>
#map = affine_map<(d0, d1) -> (0, 0)>
#map1 = affine_map<(d0, d1) -> (0, 0, 0)>
module attributes {stable_mosaic.version = 14 : i64} {
  func.func @k(%arg0: i32, %arg1: i32, %arg2: memref<10000x48xf32, #tpu.memory_space<hbm>>, %arg3: memref<32x88x128xi32, #tpu.memory_space<hbm>>, %arg4: memref<32x88x128xi32, #tpu.memory_space<hbm>>, %arg5: memref<360448x128xf32, #tpu.memory_space<hbm>>, %arg6: memref<360448x128xf32, #tpu.memory_space<hbm>>, %arg7: memref<88x128xi32, #tpu.memory_space<vmem>>, %arg8: memref<88x128xi32, #tpu.memory_space<vmem>>, %arg9: memref<128x48xf32, #tpu.memory_space<vmem>>, %arg10: memref<128x48xf32, #tpu.memory_space<vmem>>, %arg11: memref<128x48xf32, #tpu.memory_space<vmem>>, %arg12: memref<128x48xf32, #tpu.memory_space<vmem>>, %arg13: memref<10000x48xf32, #tpu.memory_space<vmem_shared>>, %arg14: memref<!tpu.dma_semaphore, #tpu.memory_space<semaphore_mem>>, %arg15: memref<!tpu.dma_semaphore, #tpu.memory_space<semaphore_mem>>, %arg16: memref<!tpu.dma_semaphore, #tpu.memory_space<semaphore_mem>>, %arg17: memref<!tpu.dma_semaphore, #tpu.memory_space<semaphore_mem>>) attributes {dimension_semantics = [#tpu.dimension_semantics<core_parallel>, #tpu.dimension_semantics<subcore_parallel>], iteration_bounds = array<i64: 2, 16>, scalar_prefetch = 0 : i64, scratch_operands = 11 : i64, tpu.core_type = #tpu.core_type<sc_vector_subcore>, window_params = [{transform_indices = #map}, {transform_indices = #map1}, {transform_indices = #map1}, {transform_indices = #map}, {transform_indices = #map}]} {
    %mul3A = arith.constant 2 : i32
    %mul3A_0 = arith.muli %arg1, %mul3A : i32
    %add3A = arith.addi %mul3A_0, %arg0 : i32
    %mul3A_1 = arith.constant 88 : i32
    %mul3A_2 = arith.muli %add3A, %mul3A_1 : i32
    %eq3A = arith.constant 0 : i32
    %eq3A_3 = arith.cmpi eq, %arg1, %eq3A : i32
    %convert_element_type3A = arith.extui %eq3A_3 : i1 to i32
    %cond3A = arith.constant 0 : i32
    %cond3A_4 = arith.cmpi ne, %convert_element_type3A, %cond3A : i32
    scf.if %cond3A_4 {
      "tpu.region"() ({
        %run_scoped3A = tpu.sem_alloc : memref<!tpu.dma_semaphore, #tpu.memory_space<semaphore_mem>>
        tpu.enqueue_dma source(%arg2 : memref<10000x48xf32, #tpu.memory_space<hbm>>) target(%arg13 : memref<10000x48xf32, #tpu.memory_space<vmem_shared>>) target_semaphore(%run_scoped3A : memref<!tpu.dma_semaphore, #tpu.memory_space<semaphore_mem>>)
        tpu.wait_dma2 semaphore(%run_scoped3A : memref<!tpu.dma_semaphore, #tpu.memory_space<semaphore_mem>>) src(%arg2 : memref<10000x48xf32, #tpu.memory_space<hbm>>) dst(%arg13 : memref<10000x48xf32, #tpu.memory_space<vmem_shared>>)
        tpu.yield
      }) : () -> ()
    } else {
    }
    "tpu.region"() ({
      %run_scoped3A = tpu.sem_alloc : memref<!tpu.dma_semaphore, #tpu.memory_space<semaphore_mem>>
      %dma_start3A_72 = arith.constant 0 : i32
      %dma_start3A_73 = arith.constant 0 : i32
      %dma_start3A_74 = tpu.memref_slice %arg3[%add3A, %dma_start3A_72, %dma_start3A_73] : memref<32x88x128xi32, #tpu.memory_space<hbm>> -> memref<1x88x128xi32, #tpu.memory_space<hbm>>
      %dma_start3A_75 = tpu.memref_squeeze %dma_start3A_74 : memref<1x88x128xi32, #tpu.memory_space<hbm>> -> memref<88x128xi32, #tpu.memory_space<hbm>>
      %dma_start3A_76 = arith.constant 0 : i32
      %dma_start3A_77 = arith.constant 0 : i32
      %dma_start3A_78 = tpu.memref_slice %arg3[%add3A, %dma_start3A_76, %dma_start3A_77] : memref<32x88x128xi32, #tpu.memory_space<hbm>> -> memref<1x88x128xi32, #tpu.memory_space<hbm>>
      %dma_start3A_79 = tpu.memref_squeeze %dma_start3A_78 : memref<1x88x128xi32, #tpu.memory_space<hbm>> -> memref<88x128xi32, #tpu.memory_space<hbm>>
      tpu.enqueue_dma source(%dma_start3A_79 : memref<88x128xi32, #tpu.memory_space<hbm>>) target(%arg7 : memref<88x128xi32, #tpu.memory_space<vmem>>) target_semaphore(%run_scoped3A : memref<!tpu.dma_semaphore, #tpu.memory_space<semaphore_mem>>)
      %dma_wait3A_80 = arith.constant 0 : i32
      %dma_wait3A_81 = arith.constant 0 : i32
      %dma_wait3A_82 = tpu.memref_slice %arg3[%add3A, %dma_wait3A_80, %dma_wait3A_81] : memref<32x88x128xi32, #tpu.memory_space<hbm>> -> memref<1x88x128xi32, #tpu.memory_space<hbm>>
      %dma_wait3A_83 = tpu.memref_squeeze %dma_wait3A_82 : memref<1x88x128xi32, #tpu.memory_space<hbm>> -> memref<88x128xi32, #tpu.memory_space<hbm>>
      %dma_wait3A_84 = arith.constant 0 : i32
      %dma_wait3A_85 = arith.constant 0 : i32
      %dma_wait3A_86 = tpu.memref_slice %arg3[%add3A, %dma_wait3A_84, %dma_wait3A_85] : memref<32x88x128xi32, #tpu.memory_space<hbm>> -> memref<1x88x128xi32, #tpu.memory_space<hbm>>
      %dma_wait3A_87 = tpu.memref_squeeze %dma_wait3A_86 : memref<1x88x128xi32, #tpu.memory_space<hbm>> -> memref<88x128xi32, #tpu.memory_space<hbm>>
      tpu.wait_dma2 semaphore(%run_scoped3A : memref<!tpu.dma_semaphore, #tpu.memory_space<semaphore_mem>>) src(%dma_wait3A_87 : memref<88x128xi32, #tpu.memory_space<hbm>>) dst(%arg7 : memref<88x128xi32, #tpu.memory_space<vmem>>)
      tpu.yield
    }) : () -> ()
    "tpu.region"() ({
      %run_scoped3A = tpu.sem_alloc : memref<!tpu.dma_semaphore, #tpu.memory_space<semaphore_mem>>
      %dma_start3A_72 = arith.constant 0 : i32
      %dma_start3A_73 = arith.constant 0 : i32
      %dma_start3A_74 = tpu.memref_slice %arg4[%add3A, %dma_start3A_72, %dma_start3A_73] : memref<32x88x128xi32, #tpu.memory_space<hbm>> -> memref<1x88x128xi32, #tpu.memory_space<hbm>>
      %dma_start3A_75 = tpu.memref_squeeze %dma_start3A_74 : memref<1x88x128xi32, #tpu.memory_space<hbm>> -> memref<88x128xi32, #tpu.memory_space<hbm>>
      %dma_start3A_76 = arith.constant 0 : i32
      %dma_start3A_77 = arith.constant 0 : i32
      %dma_start3A_78 = tpu.memref_slice %arg4[%add3A, %dma_start3A_76, %dma_start3A_77] : memref<32x88x128xi32, #tpu.memory_space<hbm>> -> memref<1x88x128xi32, #tpu.memory_space<hbm>>
      %dma_start3A_79 = tpu.memref_squeeze %dma_start3A_78 : memref<1x88x128xi32, #tpu.memory_space<hbm>> -> memref<88x128xi32, #tpu.memory_space<hbm>>
      tpu.enqueue_dma source(%dma_start3A_79 : memref<88x128xi32, #tpu.memory_space<hbm>>) target(%arg8 : memref<88x128xi32, #tpu.memory_space<vmem>>) target_semaphore(%run_scoped3A : memref<!tpu.dma_semaphore, #tpu.memory_space<semaphore_mem>>)
      %dma_wait3A_80 = arith.constant 0 : i32
      %dma_wait3A_81 = arith.constant 0 : i32
      %dma_wait3A_82 = tpu.memref_slice %arg4[%add3A, %dma_wait3A_80, %dma_wait3A_81] : memref<32x88x128xi32, #tpu.memory_space<hbm>> -> memref<1x88x128xi32, #tpu.memory_space<hbm>>
      %dma_wait3A_83 = tpu.memref_squeeze %dma_wait3A_82 : memref<1x88x128xi32, #tpu.memory_space<hbm>> -> memref<88x128xi32, #tpu.memory_space<hbm>>
      %dma_wait3A_84 = arith.constant 0 : i32
      %dma_wait3A_85 = arith.constant 0 : i32
      %dma_wait3A_86 = tpu.memref_slice %arg4[%add3A, %dma_wait3A_84, %dma_wait3A_85] : memref<32x88x128xi32, #tpu.memory_space<hbm>> -> memref<1x88x128xi32, #tpu.memory_space<hbm>>
      %dma_wait3A_87 = tpu.memref_squeeze %dma_wait3A_86 : memref<1x88x128xi32, #tpu.memory_space<hbm>> -> memref<88x128xi32, #tpu.memory_space<hbm>>
      tpu.wait_dma2 semaphore(%run_scoped3A : memref<!tpu.dma_semaphore, #tpu.memory_space<semaphore_mem>>) src(%dma_wait3A_87 : memref<88x128xi32, #tpu.memory_space<hbm>>) dst(%arg8 : memref<88x128xi32, #tpu.memory_space<vmem>>)
      tpu.yield
    }) : () -> ()
    %barrier3A = arith.constant 0 : index
    tpu.barrier barrier_id(%barrier3A)
    %dma_start3A = arith.constant 0 : i32
    %dma_start3A_5 = arith.constant 0 : i32
    %dma_start3A_6 = tpu.memref_slice %arg7[%dma_start3A, %dma_start3A_5] : memref<88x128xi32, #tpu.memory_space<vmem>> -> memref<1x128xi32, #tpu.memory_space<vmem>>
    %dma_start3A_7 = tpu.memref_squeeze %dma_start3A_6 : memref<1x128xi32, #tpu.memory_space<vmem>> -> memref<128xi32, #tpu.memory_space<vmem>>
    %dma_start3A_8 = arith.constant 0 : i32
    %dma_start3A_9 = arith.constant 0 : i32
    %dma_start3A_10 = tpu.memref_slice %arg13[%dma_start3A_8, %dma_start3A_9] : memref<10000x48xf32, #tpu.memory_space<vmem_shared>> -> memref<10000x48xf32, #tpu.memory_space<vmem_shared>>
    tpu.enqueue_indirect_dma source(%dma_start3A_10 : memref<10000x48xf32, #tpu.memory_space<vmem_shared>>) target(%arg9 : memref<128x48xf32, #tpu.memory_space<vmem>>) offsets(%dma_start3A_7 : memref<128xi32, #tpu.memory_space<vmem>>) semaphore(%arg14 : memref<!tpu.dma_semaphore, #tpu.memory_space<semaphore_mem>>)
    %dma_start3A_11 = arith.constant 0 : i32
    %dma_start3A_12 = arith.constant 0 : i32
    %dma_start3A_13 = tpu.memref_slice %arg8[%dma_start3A_11, %dma_start3A_12] : memref<88x128xi32, #tpu.memory_space<vmem>> -> memref<1x128xi32, #tpu.memory_space<vmem>>
    %dma_start3A_14 = tpu.memref_squeeze %dma_start3A_13 : memref<1x128xi32, #tpu.memory_space<vmem>> -> memref<128xi32, #tpu.memory_space<vmem>>
    %dma_start3A_15 = arith.constant 0 : i32
    %dma_start3A_16 = arith.constant 0 : i32
    %dma_start3A_17 = tpu.memref_slice %arg13[%dma_start3A_15, %dma_start3A_16] : memref<10000x48xf32, #tpu.memory_space<vmem_shared>> -> memref<10000x48xf32, #tpu.memory_space<vmem_shared>>
    tpu.enqueue_indirect_dma source(%dma_start3A_17 : memref<10000x48xf32, #tpu.memory_space<vmem_shared>>) target(%arg10 : memref<128x48xf32, #tpu.memory_space<vmem>>) offsets(%dma_start3A_14 : memref<128xi32, #tpu.memory_space<vmem>>) semaphore(%arg15 : memref<!tpu.dma_semaphore, #tpu.memory_space<semaphore_mem>>)
    %scan3A = arith.constant 0 : i32
    %scan3A_18 = arith.constant 0 : i32
    %scan3A_19 = arith.constant 43 : i32
    %scan3A_20 = arith.addi %scan3A_18, %scan3A_19 : i32
    %scan3A_21 = arith.constant 1 : i32
    scf.for %scan3A_72 = %scan3A_18 to %scan3A_20 step %scan3A_21  : i32 {
      %mul3A_73 = arith.constant 2 : i32
      %mul3A_74 = arith.muli %scan3A_72, %mul3A_73 : i32
      %add3A_75 = arith.constant 1 : i32
      %add3A_76 = arith.addi %mul3A_74, %add3A_75 : i32
      %dma_start3A_77 = arith.constant 0 : i32
      %dma_start3A_78 = tpu.memref_slice %arg7[%add3A_76, %dma_start3A_77] : memref<88x128xi32, #tpu.memory_space<vmem>> -> memref<1x128xi32, #tpu.memory_space<vmem>>
      %dma_start3A_79 = tpu.memref_squeeze %dma_start3A_78 : memref<1x128xi32, #tpu.memory_space<vmem>> -> memref<128xi32, #tpu.memory_space<vmem>>
      %dma_start3A_80 = arith.constant 0 : i32
      %dma_start3A_81 = arith.constant 0 : i32
      %dma_start3A_82 = tpu.memref_slice %arg13[%dma_start3A_80, %dma_start3A_81] : memref<10000x48xf32, #tpu.memory_space<vmem_shared>> -> memref<10000x48xf32, #tpu.memory_space<vmem_shared>>
      tpu.enqueue_indirect_dma source(%dma_start3A_82 : memref<10000x48xf32, #tpu.memory_space<vmem_shared>>) target(%arg11 : memref<128x48xf32, #tpu.memory_space<vmem>>) offsets(%dma_start3A_79 : memref<128xi32, #tpu.memory_space<vmem>>) semaphore(%arg16 : memref<!tpu.dma_semaphore, #tpu.memory_space<semaphore_mem>>)
      %dma_start3A_83 = arith.constant 0 : i32
      %dma_start3A_84 = tpu.memref_slice %arg8[%add3A_76, %dma_start3A_83] : memref<88x128xi32, #tpu.memory_space<vmem>> -> memref<1x128xi32, #tpu.memory_space<vmem>>
      %dma_start3A_85 = tpu.memref_squeeze %dma_start3A_84 : memref<1x128xi32, #tpu.memory_space<vmem>> -> memref<128xi32, #tpu.memory_space<vmem>>
      %dma_start3A_86 = arith.constant 0 : i32
      %dma_start3A_87 = arith.constant 0 : i32
      %dma_start3A_88 = tpu.memref_slice %arg13[%dma_start3A_86, %dma_start3A_87] : memref<10000x48xf32, #tpu.memory_space<vmem_shared>> -> memref<10000x48xf32, #tpu.memory_space<vmem_shared>>
      tpu.enqueue_indirect_dma source(%dma_start3A_88 : memref<10000x48xf32, #tpu.memory_space<vmem_shared>>) target(%arg12 : memref<128x48xf32, #tpu.memory_space<vmem>>) offsets(%dma_start3A_85 : memref<128xi32, #tpu.memory_space<vmem>>) semaphore(%arg17 : memref<!tpu.dma_semaphore, #tpu.memory_space<semaphore_mem>>)
      %dma_wait3A_89 = arith.constant 0 : i32
      %dma_wait3A_90 = arith.constant 0 : i32
      %dma_wait3A_91 = tpu.memref_slice %arg7[%dma_wait3A_89, %dma_wait3A_90] : memref<88x128xi32, #tpu.memory_space<vmem>> -> memref<1x128xi32, #tpu.memory_space<vmem>>
      %dma_wait3A_92 = tpu.memref_squeeze %dma_wait3A_91 : memref<1x128xi32, #tpu.memory_space<vmem>> -> memref<128xi32, #tpu.memory_space<vmem>>
      %dma_wait3A_93 = arith.constant 0 : i32
      %dma_wait3A_94 = arith.constant 0 : i32
      %dma_wait3A_95 = tpu.memref_slice %arg13[%dma_wait3A_93, %dma_wait3A_94] : memref<10000x48xf32, #tpu.memory_space<vmem_shared>> -> memref<10000x48xf32, #tpu.memory_space<vmem_shared>>
      tpu.wait_indirect_dma semaphore(%arg14 : memref<!tpu.dma_semaphore, #tpu.memory_space<semaphore_mem>>) src(%dma_wait3A_95 : memref<10000x48xf32, #tpu.memory_space<vmem_shared>>) dst(%arg9 : memref<128x48xf32, #tpu.memory_space<vmem>>)
      %dma_wait3A_96 = arith.constant 0 : i32
      %dma_wait3A_97 = arith.constant 0 : i32
      %dma_wait3A_98 = tpu.memref_slice %arg8[%dma_wait3A_96, %dma_wait3A_97] : memref<88x128xi32, #tpu.memory_space<vmem>> -> memref<1x128xi32, #tpu.memory_space<vmem>>
      %dma_wait3A_99 = tpu.memref_squeeze %dma_wait3A_98 : memref<1x128xi32, #tpu.memory_space<vmem>> -> memref<128xi32, #tpu.memory_space<vmem>>
      %dma_wait3A_100 = arith.constant 0 : i32
      %dma_wait3A_101 = arith.constant 0 : i32
      %dma_wait3A_102 = tpu.memref_slice %arg13[%dma_wait3A_100, %dma_wait3A_101] : memref<10000x48xf32, #tpu.memory_space<vmem_shared>> -> memref<10000x48xf32, #tpu.memory_space<vmem_shared>>
      tpu.wait_indirect_dma semaphore(%arg15 : memref<!tpu.dma_semaphore, #tpu.memory_space<semaphore_mem>>) src(%dma_wait3A_102 : memref<10000x48xf32, #tpu.memory_space<vmem_shared>>) dst(%arg10 : memref<128x48xf32, #tpu.memory_space<vmem>>)
      %add3A_103 = arith.addi %mul3A_2, %mul3A_74 : i32
      %mul3A_104 = arith.constant 128 : i32
      %mul3A_105 = arith.muli %add3A_103, %mul3A_104 : i32
      "tpu.region"() ({
        %run_scoped3A = tpu.sem_alloc : memref<!tpu.dma_semaphore, #tpu.memory_space<semaphore_mem>>
        %dma_start3A_139 = arith.constant 0 : i32
        %dma_start3A_140 = tpu.memref_slice %arg5[%mul3A_105, %dma_start3A_139] : memref<360448x128xf32, #tpu.memory_space<hbm>> -> memref<128x48xf32, #tpu.memory_space<hbm>>
        %dma_start3A_141 = arith.constant 0 : i32
        %dma_start3A_142 = tpu.memref_slice %arg5[%mul3A_105, %dma_start3A_141] : memref<360448x128xf32, #tpu.memory_space<hbm>> -> memref<128x48xf32, #tpu.memory_space<hbm>>
        tpu.enqueue_dma source(%arg9 : memref<128x48xf32, #tpu.memory_space<vmem>>) target(%dma_start3A_142 : memref<128x48xf32, #tpu.memory_space<hbm>>) target_semaphore(%run_scoped3A : memref<!tpu.dma_semaphore, #tpu.memory_space<semaphore_mem>>)
        %dma_wait3A_143 = arith.constant 0 : i32
        %dma_wait3A_144 = tpu.memref_slice %arg5[%mul3A_105, %dma_wait3A_143] : memref<360448x128xf32, #tpu.memory_space<hbm>> -> memref<128x48xf32, #tpu.memory_space<hbm>>
        %dma_wait3A_145 = arith.constant 0 : i32
        %dma_wait3A_146 = tpu.memref_slice %arg5[%mul3A_105, %dma_wait3A_145] : memref<360448x128xf32, #tpu.memory_space<hbm>> -> memref<128x48xf32, #tpu.memory_space<hbm>>
        tpu.wait_dma2 semaphore(%run_scoped3A : memref<!tpu.dma_semaphore, #tpu.memory_space<semaphore_mem>>) src(%arg9 : memref<128x48xf32, #tpu.memory_space<vmem>>) dst(%dma_wait3A_146 : memref<128x48xf32, #tpu.memory_space<hbm>>)
        tpu.yield
      }) : () -> ()
      "tpu.region"() ({
        %run_scoped3A = tpu.sem_alloc : memref<!tpu.dma_semaphore, #tpu.memory_space<semaphore_mem>>
        %dma_start3A_139 = arith.constant 0 : i32
        %dma_start3A_140 = tpu.memref_slice %arg6[%mul3A_105, %dma_start3A_139] : memref<360448x128xf32, #tpu.memory_space<hbm>> -> memref<128x48xf32, #tpu.memory_space<hbm>>
        %dma_start3A_141 = arith.constant 0 : i32
        %dma_start3A_142 = tpu.memref_slice %arg6[%mul3A_105, %dma_start3A_141] : memref<360448x128xf32, #tpu.memory_space<hbm>> -> memref<128x48xf32, #tpu.memory_space<hbm>>
        tpu.enqueue_dma source(%arg10 : memref<128x48xf32, #tpu.memory_space<vmem>>) target(%dma_start3A_142 : memref<128x48xf32, #tpu.memory_space<hbm>>) target_semaphore(%run_scoped3A : memref<!tpu.dma_semaphore, #tpu.memory_space<semaphore_mem>>)
        %dma_wait3A_143 = arith.constant 0 : i32
        %dma_wait3A_144 = tpu.memref_slice %arg6[%mul3A_105, %dma_wait3A_143] : memref<360448x128xf32, #tpu.memory_space<hbm>> -> memref<128x48xf32, #tpu.memory_space<hbm>>
        %dma_wait3A_145 = arith.constant 0 : i32
        %dma_wait3A_146 = tpu.memref_slice %arg6[%mul3A_105, %dma_wait3A_145] : memref<360448x128xf32, #tpu.memory_space<hbm>> -> memref<128x48xf32, #tpu.memory_space<hbm>>
        tpu.wait_dma2 semaphore(%run_scoped3A : memref<!tpu.dma_semaphore, #tpu.memory_space<semaphore_mem>>) src(%arg10 : memref<128x48xf32, #tpu.memory_space<vmem>>) dst(%dma_wait3A_146 : memref<128x48xf32, #tpu.memory_space<hbm>>)
        tpu.yield
      }) : () -> ()
      %add3A_106 = arith.constant 2 : i32
      %add3A_107 = arith.addi %mul3A_74, %add3A_106 : i32
      %dma_start3A_108 = arith.constant 0 : i32
      %dma_start3A_109 = tpu.memref_slice %arg7[%add3A_107, %dma_start3A_108] : memref<88x128xi32, #tpu.memory_space<vmem>> -> memref<1x128xi32, #tpu.memory_space<vmem>>
      %dma_start3A_110 = tpu.memref_squeeze %dma_start3A_109 : memref<1x128xi32, #tpu.memory_space<vmem>> -> memref<128xi32, #tpu.memory_space<vmem>>
      %dma_start3A_111 = arith.constant 0 : i32
      %dma_start3A_112 = arith.constant 0 : i32
      %dma_start3A_113 = tpu.memref_slice %arg13[%dma_start3A_111, %dma_start3A_112] : memref<10000x48xf32, #tpu.memory_space<vmem_shared>> -> memref<10000x48xf32, #tpu.memory_space<vmem_shared>>
      tpu.enqueue_indirect_dma source(%dma_start3A_113 : memref<10000x48xf32, #tpu.memory_space<vmem_shared>>) target(%arg9 : memref<128x48xf32, #tpu.memory_space<vmem>>) offsets(%dma_start3A_110 : memref<128xi32, #tpu.memory_space<vmem>>) semaphore(%arg14 : memref<!tpu.dma_semaphore, #tpu.memory_space<semaphore_mem>>)
      %dma_start3A_114 = arith.constant 0 : i32
      %dma_start3A_115 = tpu.memref_slice %arg8[%add3A_107, %dma_start3A_114] : memref<88x128xi32, #tpu.memory_space<vmem>> -> memref<1x128xi32, #tpu.memory_space<vmem>>
      %dma_start3A_116 = tpu.memref_squeeze %dma_start3A_115 : memref<1x128xi32, #tpu.memory_space<vmem>> -> memref<128xi32, #tpu.memory_space<vmem>>
      %dma_start3A_117 = arith.constant 0 : i32
      %dma_start3A_118 = arith.constant 0 : i32
      %dma_start3A_119 = tpu.memref_slice %arg13[%dma_start3A_117, %dma_start3A_118] : memref<10000x48xf32, #tpu.memory_space<vmem_shared>> -> memref<10000x48xf32, #tpu.memory_space<vmem_shared>>
      tpu.enqueue_indirect_dma source(%dma_start3A_119 : memref<10000x48xf32, #tpu.memory_space<vmem_shared>>) target(%arg10 : memref<128x48xf32, #tpu.memory_space<vmem>>) offsets(%dma_start3A_116 : memref<128xi32, #tpu.memory_space<vmem>>) semaphore(%arg15 : memref<!tpu.dma_semaphore, #tpu.memory_space<semaphore_mem>>)
      %dma_wait3A_120 = arith.constant 0 : i32
      %dma_wait3A_121 = arith.constant 0 : i32
      %dma_wait3A_122 = tpu.memref_slice %arg7[%dma_wait3A_120, %dma_wait3A_121] : memref<88x128xi32, #tpu.memory_space<vmem>> -> memref<1x128xi32, #tpu.memory_space<vmem>>
      %dma_wait3A_123 = tpu.memref_squeeze %dma_wait3A_122 : memref<1x128xi32, #tpu.memory_space<vmem>> -> memref<128xi32, #tpu.memory_space<vmem>>
      %dma_wait3A_124 = arith.constant 0 : i32
      %dma_wait3A_125 = arith.constant 0 : i32
      %dma_wait3A_126 = tpu.memref_slice %arg13[%dma_wait3A_124, %dma_wait3A_125] : memref<10000x48xf32, #tpu.memory_space<vmem_shared>> -> memref<10000x48xf32, #tpu.memory_space<vmem_shared>>
      tpu.wait_indirect_dma semaphore(%arg16 : memref<!tpu.dma_semaphore, #tpu.memory_space<semaphore_mem>>) src(%dma_wait3A_126 : memref<10000x48xf32, #tpu.memory_space<vmem_shared>>) dst(%arg11 : memref<128x48xf32, #tpu.memory_space<vmem>>)
      %dma_wait3A_127 = arith.constant 0 : i32
      %dma_wait3A_128 = arith.constant 0 : i32
      %dma_wait3A_129 = tpu.memref_slice %arg8[%dma_wait3A_127, %dma_wait3A_128] : memref<88x128xi32, #tpu.memory_space<vmem>> -> memref<1x128xi32, #tpu.memory_space<vmem>>
      %dma_wait3A_130 = tpu.memref_squeeze %dma_wait3A_129 : memref<1x128xi32, #tpu.memory_space<vmem>> -> memref<128xi32, #tpu.memory_space<vmem>>
      %dma_wait3A_131 = arith.constant 0 : i32
      %dma_wait3A_132 = arith.constant 0 : i32
      %dma_wait3A_133 = tpu.memref_slice %arg13[%dma_wait3A_131, %dma_wait3A_132] : memref<10000x48xf32, #tpu.memory_space<vmem_shared>> -> memref<10000x48xf32, #tpu.memory_space<vmem_shared>>
      tpu.wait_indirect_dma semaphore(%arg17 : memref<!tpu.dma_semaphore, #tpu.memory_space<semaphore_mem>>) src(%dma_wait3A_133 : memref<10000x48xf32, #tpu.memory_space<vmem_shared>>) dst(%arg12 : memref<128x48xf32, #tpu.memory_space<vmem>>)
      %add3A_134 = arith.constant 1 : i32
      %add3A_135 = arith.addi %mul3A_74, %add3A_134 : i32
      %add3A_136 = arith.addi %mul3A_2, %add3A_135 : i32
      %mul3A_137 = arith.constant 128 : i32
      %mul3A_138 = arith.muli %add3A_136, %mul3A_137 : i32
      "tpu.region"() ({
        %run_scoped3A = tpu.sem_alloc : memref<!tpu.dma_semaphore, #tpu.memory_space<semaphore_mem>>
        %dma_start3A_139 = arith.constant 0 : i32
        %dma_start3A_140 = tpu.memref_slice %arg5[%mul3A_138, %dma_start3A_139] : memref<360448x128xf32, #tpu.memory_space<hbm>> -> memref<128x48xf32, #tpu.memory_space<hbm>>
        %dma_start3A_141 = arith.constant 0 : i32
        %dma_start3A_142 = tpu.memref_slice %arg5[%mul3A_138, %dma_start3A_141] : memref<360448x128xf32, #tpu.memory_space<hbm>> -> memref<128x48xf32, #tpu.memory_space<hbm>>
        tpu.enqueue_dma source(%arg11 : memref<128x48xf32, #tpu.memory_space<vmem>>) target(%dma_start3A_142 : memref<128x48xf32, #tpu.memory_space<hbm>>) target_semaphore(%run_scoped3A : memref<!tpu.dma_semaphore, #tpu.memory_space<semaphore_mem>>)
        %dma_wait3A_143 = arith.constant 0 : i32
        %dma_wait3A_144 = tpu.memref_slice %arg5[%mul3A_138, %dma_wait3A_143] : memref<360448x128xf32, #tpu.memory_space<hbm>> -> memref<128x48xf32, #tpu.memory_space<hbm>>
        %dma_wait3A_145 = arith.constant 0 : i32
        %dma_wait3A_146 = tpu.memref_slice %arg5[%mul3A_138, %dma_wait3A_145] : memref<360448x128xf32, #tpu.memory_space<hbm>> -> memref<128x48xf32, #tpu.memory_space<hbm>>
        tpu.wait_dma2 semaphore(%run_scoped3A : memref<!tpu.dma_semaphore, #tpu.memory_space<semaphore_mem>>) src(%arg11 : memref<128x48xf32, #tpu.memory_space<vmem>>) dst(%dma_wait3A_146 : memref<128x48xf32, #tpu.memory_space<hbm>>)
        tpu.yield
      }) : () -> ()
      "tpu.region"() ({
        %run_scoped3A = tpu.sem_alloc : memref<!tpu.dma_semaphore, #tpu.memory_space<semaphore_mem>>
        %dma_start3A_139 = arith.constant 0 : i32
        %dma_start3A_140 = tpu.memref_slice %arg6[%mul3A_138, %dma_start3A_139] : memref<360448x128xf32, #tpu.memory_space<hbm>> -> memref<128x48xf32, #tpu.memory_space<hbm>>
        %dma_start3A_141 = arith.constant 0 : i32
        %dma_start3A_142 = tpu.memref_slice %arg6[%mul3A_138, %dma_start3A_141] : memref<360448x128xf32, #tpu.memory_space<hbm>> -> memref<128x48xf32, #tpu.memory_space<hbm>>
        tpu.enqueue_dma source(%arg12 : memref<128x48xf32, #tpu.memory_space<vmem>>) target(%dma_start3A_142 : memref<128x48xf32, #tpu.memory_space<hbm>>) target_semaphore(%run_scoped3A : memref<!tpu.dma_semaphore, #tpu.memory_space<semaphore_mem>>)
        %dma_wait3A_143 = arith.constant 0 : i32
        %dma_wait3A_144 = tpu.memref_slice %arg6[%mul3A_138, %dma_wait3A_143] : memref<360448x128xf32, #tpu.memory_space<hbm>> -> memref<128x48xf32, #tpu.memory_space<hbm>>
        %dma_wait3A_145 = arith.constant 0 : i32
        %dma_wait3A_146 = tpu.memref_slice %arg6[%mul3A_138, %dma_wait3A_145] : memref<360448x128xf32, #tpu.memory_space<hbm>> -> memref<128x48xf32, #tpu.memory_space<hbm>>
        tpu.wait_dma2 semaphore(%run_scoped3A : memref<!tpu.dma_semaphore, #tpu.memory_space<semaphore_mem>>) src(%arg12 : memref<128x48xf32, #tpu.memory_space<vmem>>) dst(%dma_wait3A_146 : memref<128x48xf32, #tpu.memory_space<hbm>>)
        tpu.yield
      }) : () -> ()
    }
    %scan3A_22 = arith.constant 43 : i32
    %dma_start3A_23 = arith.constant 87 : i32
    %dma_start3A_24 = arith.constant 0 : i32
    %dma_start3A_25 = tpu.memref_slice %arg7[%dma_start3A_23, %dma_start3A_24] : memref<88x128xi32, #tpu.memory_space<vmem>> -> memref<1x128xi32, #tpu.memory_space<vmem>>
    %dma_start3A_26 = tpu.memref_squeeze %dma_start3A_25 : memref<1x128xi32, #tpu.memory_space<vmem>> -> memref<128xi32, #tpu.memory_space<vmem>>
    %dma_start3A_27 = arith.constant 0 : i32
    %dma_start3A_28 = arith.constant 0 : i32
    %dma_start3A_29 = tpu.memref_slice %arg13[%dma_start3A_27, %dma_start3A_28] : memref<10000x48xf32, #tpu.memory_space<vmem_shared>> -> memref<10000x48xf32, #tpu.memory_space<vmem_shared>>
    tpu.enqueue_indirect_dma source(%dma_start3A_29 : memref<10000x48xf32, #tpu.memory_space<vmem_shared>>) target(%arg11 : memref<128x48xf32, #tpu.memory_space<vmem>>) offsets(%dma_start3A_26 : memref<128xi32, #tpu.memory_space<vmem>>) semaphore(%arg16 : memref<!tpu.dma_semaphore, #tpu.memory_space<semaphore_mem>>)
    %dma_start3A_30 = arith.constant 87 : i32
    %dma_start3A_31 = arith.constant 0 : i32
    %dma_start3A_32 = tpu.memref_slice %arg8[%dma_start3A_30, %dma_start3A_31] : memref<88x128xi32, #tpu.memory_space<vmem>> -> memref<1x128xi32, #tpu.memory_space<vmem>>
    %dma_start3A_33 = tpu.memref_squeeze %dma_start3A_32 : memref<1x128xi32, #tpu.memory_space<vmem>> -> memref<128xi32, #tpu.memory_space<vmem>>
    %dma_start3A_34 = arith.constant 0 : i32
    %dma_start3A_35 = arith.constant 0 : i32
    %dma_start3A_36 = tpu.memref_slice %arg13[%dma_start3A_34, %dma_start3A_35] : memref<10000x48xf32, #tpu.memory_space<vmem_shared>> -> memref<10000x48xf32, #tpu.memory_space<vmem_shared>>
    tpu.enqueue_indirect_dma source(%dma_start3A_36 : memref<10000x48xf32, #tpu.memory_space<vmem_shared>>) target(%arg12 : memref<128x48xf32, #tpu.memory_space<vmem>>) offsets(%dma_start3A_33 : memref<128xi32, #tpu.memory_space<vmem>>) semaphore(%arg17 : memref<!tpu.dma_semaphore, #tpu.memory_space<semaphore_mem>>)
    %dma_wait3A = arith.constant 0 : i32
    %dma_wait3A_37 = arith.constant 0 : i32
    %dma_wait3A_38 = tpu.memref_slice %arg7[%dma_wait3A, %dma_wait3A_37] : memref<88x128xi32, #tpu.memory_space<vmem>> -> memref<1x128xi32, #tpu.memory_space<vmem>>
    %dma_wait3A_39 = tpu.memref_squeeze %dma_wait3A_38 : memref<1x128xi32, #tpu.memory_space<vmem>> -> memref<128xi32, #tpu.memory_space<vmem>>
    %dma_wait3A_40 = arith.constant 0 : i32
    %dma_wait3A_41 = arith.constant 0 : i32
    %dma_wait3A_42 = tpu.memref_slice %arg13[%dma_wait3A_40, %dma_wait3A_41] : memref<10000x48xf32, #tpu.memory_space<vmem_shared>> -> memref<10000x48xf32, #tpu.memory_space<vmem_shared>>
    tpu.wait_indirect_dma semaphore(%arg14 : memref<!tpu.dma_semaphore, #tpu.memory_space<semaphore_mem>>) src(%dma_wait3A_42 : memref<10000x48xf32, #tpu.memory_space<vmem_shared>>) dst(%arg9 : memref<128x48xf32, #tpu.memory_space<vmem>>)
    %dma_wait3A_43 = arith.constant 0 : i32
    %dma_wait3A_44 = arith.constant 0 : i32
    %dma_wait3A_45 = tpu.memref_slice %arg8[%dma_wait3A_43, %dma_wait3A_44] : memref<88x128xi32, #tpu.memory_space<vmem>> -> memref<1x128xi32, #tpu.memory_space<vmem>>
    %dma_wait3A_46 = tpu.memref_squeeze %dma_wait3A_45 : memref<1x128xi32, #tpu.memory_space<vmem>> -> memref<128xi32, #tpu.memory_space<vmem>>
    %dma_wait3A_47 = arith.constant 0 : i32
    %dma_wait3A_48 = arith.constant 0 : i32
    %dma_wait3A_49 = tpu.memref_slice %arg13[%dma_wait3A_47, %dma_wait3A_48] : memref<10000x48xf32, #tpu.memory_space<vmem_shared>> -> memref<10000x48xf32, #tpu.memory_space<vmem_shared>>
    tpu.wait_indirect_dma semaphore(%arg15 : memref<!tpu.dma_semaphore, #tpu.memory_space<semaphore_mem>>) src(%dma_wait3A_49 : memref<10000x48xf32, #tpu.memory_space<vmem_shared>>) dst(%arg10 : memref<128x48xf32, #tpu.memory_space<vmem>>)
    %add3A_50 = arith.constant 86 : i32
    %add3A_51 = arith.addi %mul3A_2, %add3A_50 : i32
    %mul3A_52 = arith.constant 128 : i32
    %mul3A_53 = arith.muli %add3A_51, %mul3A_52 : i32
    "tpu.region"() ({
      %run_scoped3A = tpu.sem_alloc : memref<!tpu.dma_semaphore, #tpu.memory_space<semaphore_mem>>
      %dma_start3A_72 = arith.constant 0 : i32
      %dma_start3A_73 = tpu.memref_slice %arg5[%mul3A_53, %dma_start3A_72] : memref<360448x128xf32, #tpu.memory_space<hbm>> -> memref<128x48xf32, #tpu.memory_space<hbm>>
      %dma_start3A_74 = arith.constant 0 : i32
      %dma_start3A_75 = tpu.memref_slice %arg5[%mul3A_53, %dma_start3A_74] : memref<360448x128xf32, #tpu.memory_space<hbm>> -> memref<128x48xf32, #tpu.memory_space<hbm>>
      tpu.enqueue_dma source(%arg9 : memref<128x48xf32, #tpu.memory_space<vmem>>) target(%dma_start3A_75 : memref<128x48xf32, #tpu.memory_space<hbm>>) target_semaphore(%run_scoped3A : memref<!tpu.dma_semaphore, #tpu.memory_space<semaphore_mem>>)
      %dma_wait3A_76 = arith.constant 0 : i32
      %dma_wait3A_77 = tpu.memref_slice %arg5[%mul3A_53, %dma_wait3A_76] : memref<360448x128xf32, #tpu.memory_space<hbm>> -> memref<128x48xf32, #tpu.memory_space<hbm>>
      %dma_wait3A_78 = arith.constant 0 : i32
      %dma_wait3A_79 = tpu.memref_slice %arg5[%mul3A_53, %dma_wait3A_78] : memref<360448x128xf32, #tpu.memory_space<hbm>> -> memref<128x48xf32, #tpu.memory_space<hbm>>
      tpu.wait_dma2 semaphore(%run_scoped3A : memref<!tpu.dma_semaphore, #tpu.memory_space<semaphore_mem>>) src(%arg9 : memref<128x48xf32, #tpu.memory_space<vmem>>) dst(%dma_wait3A_79 : memref<128x48xf32, #tpu.memory_space<hbm>>)
      tpu.yield
    }) : () -> ()
    "tpu.region"() ({
      %run_scoped3A = tpu.sem_alloc : memref<!tpu.dma_semaphore, #tpu.memory_space<semaphore_mem>>
      %dma_start3A_72 = arith.constant 0 : i32
      %dma_start3A_73 = tpu.memref_slice %arg6[%mul3A_53, %dma_start3A_72] : memref<360448x128xf32, #tpu.memory_space<hbm>> -> memref<128x48xf32, #tpu.memory_space<hbm>>
      %dma_start3A_74 = arith.constant 0 : i32
      %dma_start3A_75 = tpu.memref_slice %arg6[%mul3A_53, %dma_start3A_74] : memref<360448x128xf32, #tpu.memory_space<hbm>> -> memref<128x48xf32, #tpu.memory_space<hbm>>
      tpu.enqueue_dma source(%arg10 : memref<128x48xf32, #tpu.memory_space<vmem>>) target(%dma_start3A_75 : memref<128x48xf32, #tpu.memory_space<hbm>>) target_semaphore(%run_scoped3A : memref<!tpu.dma_semaphore, #tpu.memory_space<semaphore_mem>>)
      %dma_wait3A_76 = arith.constant 0 : i32
      %dma_wait3A_77 = tpu.memref_slice %arg6[%mul3A_53, %dma_wait3A_76] : memref<360448x128xf32, #tpu.memory_space<hbm>> -> memref<128x48xf32, #tpu.memory_space<hbm>>
      %dma_wait3A_78 = arith.constant 0 : i32
      %dma_wait3A_79 = tpu.memref_slice %arg6[%mul3A_53, %dma_wait3A_78] : memref<360448x128xf32, #tpu.memory_space<hbm>> -> memref<128x48xf32, #tpu.memory_space<hbm>>
      tpu.wait_dma2 semaphore(%run_scoped3A : memref<!tpu.dma_semaphore, #tpu.memory_space<semaphore_mem>>) src(%arg10 : memref<128x48xf32, #tpu.memory_space<vmem>>) dst(%dma_wait3A_79 : memref<128x48xf32, #tpu.memory_space<hbm>>)
      tpu.yield
    }) : () -> ()
    %dma_wait3A_54 = arith.constant 0 : i32
    %dma_wait3A_55 = arith.constant 0 : i32
    %dma_wait3A_56 = tpu.memref_slice %arg7[%dma_wait3A_54, %dma_wait3A_55] : memref<88x128xi32, #tpu.memory_space<vmem>> -> memref<1x128xi32, #tpu.memory_space<vmem>>
    %dma_wait3A_57 = tpu.memref_squeeze %dma_wait3A_56 : memref<1x128xi32, #tpu.memory_space<vmem>> -> memref<128xi32, #tpu.memory_space<vmem>>
    %dma_wait3A_58 = arith.constant 0 : i32
    %dma_wait3A_59 = arith.constant 0 : i32
    %dma_wait3A_60 = tpu.memref_slice %arg13[%dma_wait3A_58, %dma_wait3A_59] : memref<10000x48xf32, #tpu.memory_space<vmem_shared>> -> memref<10000x48xf32, #tpu.memory_space<vmem_shared>>
    tpu.wait_indirect_dma semaphore(%arg16 : memref<!tpu.dma_semaphore, #tpu.memory_space<semaphore_mem>>) src(%dma_wait3A_60 : memref<10000x48xf32, #tpu.memory_space<vmem_shared>>) dst(%arg11 : memref<128x48xf32, #tpu.memory_space<vmem>>)
    %dma_wait3A_61 = arith.constant 0 : i32
    %dma_wait3A_62 = arith.constant 0 : i32
    %dma_wait3A_63 = tpu.memref_slice %arg8[%dma_wait3A_61, %dma_wait3A_62] : memref<88x128xi32, #tpu.memory_space<vmem>> -> memref<1x128xi32, #tpu.memory_space<vmem>>
    %dma_wait3A_64 = tpu.memref_squeeze %dma_wait3A_63 : memref<1x128xi32, #tpu.memory_space<vmem>> -> memref<128xi32, #tpu.memory_space<vmem>>
    %dma_wait3A_65 = arith.constant 0 : i32
    %dma_wait3A_66 = arith.constant 0 : i32
    %dma_wait3A_67 = tpu.memref_slice %arg13[%dma_wait3A_65, %dma_wait3A_66] : memref<10000x48xf32, #tpu.memory_space<vmem_shared>> -> memref<10000x48xf32, #tpu.memory_space<vmem_shared>>
    tpu.wait_indirect_dma semaphore(%arg17 : memref<!tpu.dma_semaphore, #tpu.memory_space<semaphore_mem>>) src(%dma_wait3A_67 : memref<10000x48xf32, #tpu.memory_space<vmem_shared>>) dst(%arg12 : memref<128x48xf32, #tpu.memory_space<vmem>>)
    %add3A_68 = arith.constant 87 : i32
    %add3A_69 = arith.addi %mul3A_2, %add3A_68 : i32
    %mul3A_70 = arith.constant 128 : i32
    %mul3A_71 = arith.muli %add3A_69, %mul3A_70 : i32
    "tpu.region"() ({
      %run_scoped3A = tpu.sem_alloc : memref<!tpu.dma_semaphore, #tpu.memory_space<semaphore_mem>>
      %dma_start3A_72 = arith.constant 0 : i32
      %dma_start3A_73 = tpu.memref_slice %arg5[%mul3A_71, %dma_start3A_72] : memref<360448x128xf32, #tpu.memory_space<hbm>> -> memref<128x48xf32, #tpu.memory_space<hbm>>
      %dma_start3A_74 = arith.constant 0 : i32
      %dma_start3A_75 = tpu.memref_slice %arg5[%mul3A_71, %dma_start3A_74] : memref<360448x128xf32, #tpu.memory_space<hbm>> -> memref<128x48xf32, #tpu.memory_space<hbm>>
      tpu.enqueue_dma source(%arg11 : memref<128x48xf32, #tpu.memory_space<vmem>>) target(%dma_start3A_75 : memref<128x48xf32, #tpu.memory_space<hbm>>) target_semaphore(%run_scoped3A : memref<!tpu.dma_semaphore, #tpu.memory_space<semaphore_mem>>)
      %dma_wait3A_76 = arith.constant 0 : i32
      %dma_wait3A_77 = tpu.memref_slice %arg5[%mul3A_71, %dma_wait3A_76] : memref<360448x128xf32, #tpu.memory_space<hbm>> -> memref<128x48xf32, #tpu.memory_space<hbm>>
      %dma_wait3A_78 = arith.constant 0 : i32
      %dma_wait3A_79 = tpu.memref_slice %arg5[%mul3A_71, %dma_wait3A_78] : memref<360448x128xf32, #tpu.memory_space<hbm>> -> memref<128x48xf32, #tpu.memory_space<hbm>>
      tpu.wait_dma2 semaphore(%run_scoped3A : memref<!tpu.dma_semaphore, #tpu.memory_space<semaphore_mem>>) src(%arg11 : memref<128x48xf32, #tpu.memory_space<vmem>>) dst(%dma_wait3A_79 : memref<128x48xf32, #tpu.memory_space<hbm>>)
      tpu.yield
    }) : () -> ()
    "tpu.region"() ({
      %run_scoped3A = tpu.sem_alloc : memref<!tpu.dma_semaphore, #tpu.memory_space<semaphore_mem>>
      %dma_start3A_72 = arith.constant 0 : i32
      %dma_start3A_73 = tpu.memref_slice %arg6[%mul3A_71, %dma_start3A_72] : memref<360448x128xf32, #tpu.memory_space<hbm>> -> memref<128x48xf32, #tpu.memory_space<hbm>>
      %dma_start3A_74 = arith.constant 0 : i32
      %dma_start3A_75 = tpu.memref_slice %arg6[%mul3A_71, %dma_start3A_74] : memref<360448x128xf32, #tpu.memory_space<hbm>> -> memref<128x48xf32, #tpu.memory_space<hbm>>
      tpu.enqueue_dma source(%arg12 : memref<128x48xf32, #tpu.memory_space<vmem>>) target(%dma_start3A_75 : memref<128x48xf32, #tpu.memory_space<hbm>>) target_semaphore(%run_scoped3A : memref<!tpu.dma_semaphore, #tpu.memory_space<semaphore_mem>>)
      %dma_wait3A_76 = arith.constant 0 : i32
      %dma_wait3A_77 = tpu.memref_slice %arg6[%mul3A_71, %dma_wait3A_76] : memref<360448x128xf32, #tpu.memory_space<hbm>> -> memref<128x48xf32, #tpu.memory_space<hbm>>
      %dma_wait3A_78 = arith.constant 0 : i32
      %dma_wait3A_79 = tpu.memref_slice %arg6[%mul3A_71, %dma_wait3A_78] : memref<360448x128xf32, #tpu.memory_space<hbm>> -> memref<128x48xf32, #tpu.memory_space<hbm>>
      tpu.wait_dma2 semaphore(%run_scoped3A : memref<!tpu.dma_semaphore, #tpu.memory_space<semaphore_mem>>) src(%arg12 : memref<128x48xf32, #tpu.memory_space<vmem>>) dst(%dma_wait3A_79 : memref<128x48xf32, #tpu.memory_space<hbm>>)
      tpu.yield
    }) : () -> ()
    return
  }
}

module attributes {stable_mosaic.version = 14 : i64} {
  func.func @_node_body(%arg0: i32, %arg1: memref<1000x3xf32, #tpu.memory_space<vmem>>, %arg2: memref<1000x1xi32, #tpu.memory_space<vmem>>, %arg3: memref<1000x1xi32, #tpu.memory_space<vmem>>, %arg4: memref<100x48xf32, #tpu.memory_space<vmem>>, %arg5: memref<30x48xf32, #tpu.memory_space<vmem>>, %arg6: memref<1x3xf32, #tpu.memory_space<vmem>>, %arg7: memref<1x3xf32, #tpu.memory_space<vmem>>, %arg8: memref<3x12xf32, #tpu.memory_space<vmem>>, %arg9: memref<1x12xf32, #tpu.memory_space<vmem>>, %arg10: memref<12x48xf32, #tpu.memory_space<vmem>>, %arg11: memref<1x48xf32, #tpu.memory_space<vmem>>, %arg12: memref<48x48xf32, #tpu.memory_space<vmem>>, %arg13: memref<1x48xf32, #tpu.memory_space<vmem>>, %arg14: memref<1x48xf32, #tpu.memory_space<vmem>>, %arg15: memref<1x48xf32, #tpu.memory_space<vmem>>, %arg16: memref<1000x48xf32, #tpu.memory_space<vmem>>) attributes {dimension_semantics = [#tpu.dimension_semantics<arbitrary>], iteration_bounds = array<i64: 10>, scalar_prefetch = 0 : i64, scratch_operands = 0 : i64, tpu.core_type = #tpu.core_type<tc>, window_params = [{transform_indices = @transform_0, window_bounds = array<i64: 1000, 3>}, {transform_indices = @transform_1, window_bounds = array<i64: 1000, 1>}, {transform_indices = @transform_2, window_bounds = array<i64: 1000, 1>}, {pipeline_mode = #tpu.pipeline_mode<synchronous>, transform_indices = @transform_3, window_bounds = array<i64: 100, 48>}, {pipeline_mode = #tpu.pipeline_mode<synchronous>, transform_indices = @transform_4, window_bounds = array<i64: 30, 48>}, {pipeline_mode = #tpu.pipeline_mode<synchronous>, transform_indices = @transform_5, window_bounds = array<i64: 1, 3>}, {pipeline_mode = #tpu.pipeline_mode<synchronous>, transform_indices = @transform_6, window_bounds = array<i64: 1, 3>}, {pipeline_mode = #tpu.pipeline_mode<synchronous>, transform_indices = @transform_7, window_bounds = array<i64: 3, 12>}, {pipeline_mode = #tpu.pipeline_mode<synchronous>, transform_indices = @transform_8, window_bounds = array<i64: 1, 12>}, {pipeline_mode = #tpu.pipeline_mode<synchronous>, transform_indices = @transform_9, window_bounds = array<i64: 12, 48>}, {pipeline_mode = #tpu.pipeline_mode<synchronous>, transform_indices = @transform_10, window_bounds = array<i64: 1, 48>}, {pipeline_mode = #tpu.pipeline_mode<synchronous>, transform_indices = @transform_11, window_bounds = array<i64: 48, 48>}, {pipeline_mode = #tpu.pipeline_mode<synchronous>, transform_indices = @transform_12, window_bounds = array<i64: 1, 48>}, {pipeline_mode = #tpu.pipeline_mode<synchronous>, transform_indices = @transform_13, window_bounds = array<i64: 1, 48>}, {pipeline_mode = #tpu.pipeline_mode<synchronous>, transform_indices = @transform_14, window_bounds = array<i64: 1, 48>}, {transform_indices = @transform_15, window_bounds = array<i64: 1000, 48>}]} {
    %get3A = arith.constant 0 : index
    %get3A_0 = arith.constant 0 : index
    %get3A_1 = vector.load %arg1[%get3A, %get3A_0] : memref<1000x3xf32, #tpu.memory_space<vmem>>, vector<1000x3xf32>
    %get3A_2 = arith.constant 0 : index
    %get3A_3 = arith.constant 0 : index
    %get3A_4 = vector.load %arg6[%get3A_2, %get3A_3] : memref<1x3xf32, #tpu.memory_space<vmem>>, vector<1x3xf32>
    %get3A_5 = arith.constant 0 : index
    %get3A_6 = arith.constant 0 : index
    %get3A_7 = vector.load %arg7[%get3A_5, %get3A_6] : memref<1x3xf32, #tpu.memory_space<vmem>>, vector<1x3xf32>
    %reduce_sum3A = arith.constant dense<0.000000e+00> : vector<1000xf32>
    %reduce_sum3A_8 = vector.multi_reduction <add>, %get3A_1, %reduce_sum3A [1] : vector<1000x3xf32> to vector<1000xf32>
    %broadcast_in_dim3A = vector.shape_cast %reduce_sum3A_8 : vector<1000xf32> to vector<1000x1xf32>
    %div3A = arith.constant 3.000000e+00 : f32
    %div3A_9 = vector.broadcast %div3A : f32 to vector<1000x1xf32>
    %div3A_10 = arith.divf %broadcast_in_dim3A, %div3A_9 : vector<1000x1xf32>
    %mul3A = arith.mulf %get3A_1, %get3A_1 : vector<1000x3xf32>
    %reduce_sum3A_11 = arith.constant dense<0.000000e+00> : vector<1000xf32>
    %reduce_sum3A_12 = vector.multi_reduction <add>, %mul3A, %reduce_sum3A_11 [1] : vector<1000x3xf32> to vector<1000xf32>
    %broadcast_in_dim3A_13 = vector.shape_cast %reduce_sum3A_12 : vector<1000xf32> to vector<1000x1xf32>
    %div3A_14 = arith.constant 3.000000e+00 : f32
    %div3A_15 = vector.broadcast %div3A_14 : f32 to vector<1000x1xf32>
    %div3A_16 = arith.divf %broadcast_in_dim3A_13, %div3A_15 : vector<1000x1xf32>
    %mul3A_17 = arith.mulf %div3A_10, %div3A_10 : vector<1000x1xf32>
    %sub3A = arith.subf %div3A_16, %mul3A_17 : vector<1000x1xf32>
    %sub3A_18 = vector.broadcast %div3A_10 : vector<1000x1xf32> to vector<1000x3xf32>
    %sub3A_19 = arith.subf %get3A_1, %sub3A_18 : vector<1000x3xf32>
    %add3A = arith.constant 9.99999974E-6 : f32
    %add3A_20 = vector.broadcast %add3A : f32 to vector<1000x1xf32>
    %add3A_21 = arith.addf %sub3A, %add3A_20 : vector<1000x1xf32>
    %rsqrt3A = math.rsqrt %add3A_21 : vector<1000x1xf32>
    %mul3A_22 = vector.broadcast %rsqrt3A : vector<1000x1xf32> to vector<1000x3xf32>
    %mul3A_23 = arith.mulf %sub3A_19, %mul3A_22 : vector<1000x3xf32>
    %mul3A_24 = vector.broadcast %get3A_4 : vector<1x3xf32> to vector<1000x3xf32>
    %mul3A_25 = arith.mulf %mul3A_23, %mul3A_24 : vector<1000x3xf32>
    %add3A_26 = vector.broadcast %get3A_7 : vector<1x3xf32> to vector<1000x3xf32>
    %add3A_27 = arith.addf %mul3A_25, %add3A_26 : vector<1000x3xf32>
    %get3A_28 = arith.constant 0 : index
    %get3A_29 = arith.constant 0 : index
    %get3A_30 = vector.load %arg8[%get3A_28, %get3A_29] : memref<3x12xf32, #tpu.memory_space<vmem>>, vector<3x12xf32>
    %dot_general3A = arith.constant dense<0.000000e+00> : vector<1000x12xf32>
    %dot_general3A_31 = tpu.matmul %add3A_27, %get3A_30, %dot_general3A {dimension_numbers = #tpu.dot_dimension_numbers<[1], [0], [0], [1], [0, 0, 1, 1], [], []>, transpose_lhs_hint = false} : vector<1000x3xf32>, vector<3x12xf32>, vector<1000x12xf32> -> vector<1000x12xf32>
    %get3A_32 = arith.constant 0 : index
    %get3A_33 = arith.constant 0 : index
    %get3A_34 = vector.load %arg9[%get3A_32, %get3A_33] : memref<1x12xf32, #tpu.memory_space<vmem>>, vector<1x12xf32>
    %add3A_35 = vector.broadcast %get3A_34 : vector<1x12xf32> to vector<1000x12xf32>
    %add3A_36 = arith.addf %dot_general3A_31, %add3A_35 : vector<1000x12xf32>
    %max3A = arith.constant 0.000000e+00 : f32
    %max3A_37 = vector.broadcast %max3A : f32 to vector<1000x12xf32>
    %max3A_38 = arith.maximumf %add3A_36, %max3A_37 : vector<1000x12xf32>
    %get3A_39 = arith.constant 0 : index
    %get3A_40 = arith.constant 0 : index
    %get3A_41 = vector.load %arg10[%get3A_39, %get3A_40] : memref<12x48xf32, #tpu.memory_space<vmem>>, vector<12x48xf32>
    %dot_general3A_42 = arith.constant dense<0.000000e+00> : vector<1000x48xf32>
    %dot_general3A_43 = tpu.matmul %max3A_38, %get3A_41, %dot_general3A_42 {dimension_numbers = #tpu.dot_dimension_numbers<[1], [0], [0], [1], [0, 0, 1, 1], [], []>, transpose_lhs_hint = false} : vector<1000x12xf32>, vector<12x48xf32>, vector<1000x48xf32> -> vector<1000x48xf32>
    %get3A_44 = arith.constant 0 : index
    %get3A_45 = arith.constant 0 : index
    %get3A_46 = vector.load %arg11[%get3A_44, %get3A_45] : memref<1x48xf32, #tpu.memory_space<vmem>>, vector<1x48xf32>
    %add3A_47 = vector.broadcast %get3A_46 : vector<1x48xf32> to vector<1000x48xf32>
    %add3A_48 = arith.addf %dot_general3A_43, %add3A_47 : vector<1000x48xf32>
    %max3A_49 = arith.constant 0.000000e+00 : f32
    %max3A_50 = vector.broadcast %max3A_49 : f32 to vector<1000x48xf32>
    %max3A_51 = arith.maximumf %add3A_48, %max3A_50 : vector<1000x48xf32>
    %get3A_52 = arith.constant 0 : index
    %get3A_53 = arith.constant 0 : index
    %get3A_54 = vector.load %arg12[%get3A_52, %get3A_53] : memref<48x48xf32, #tpu.memory_space<vmem>>, vector<48x48xf32>
    %dot_general3A_55 = arith.constant dense<0.000000e+00> : vector<1000x48xf32>
    %dot_general3A_56 = tpu.matmul %max3A_51, %get3A_54, %dot_general3A_55 {dimension_numbers = #tpu.dot_dimension_numbers<[1], [0], [0], [1], [0, 0, 1, 1], [], []>, transpose_lhs_hint = false} : vector<1000x48xf32>, vector<48x48xf32>, vector<1000x48xf32> -> vector<1000x48xf32>
    %get3A_57 = arith.constant 0 : index
    %get3A_58 = arith.constant 0 : index
    %get3A_59 = vector.load %arg13[%get3A_57, %get3A_58] : memref<1x48xf32, #tpu.memory_space<vmem>>, vector<1x48xf32>
    %add3A_60 = vector.broadcast %get3A_59 : vector<1x48xf32> to vector<1000x48xf32>
    %add3A_61 = arith.addf %dot_general3A_56, %add3A_60 : vector<1000x48xf32>
    %max3A_62 = arith.constant 0.000000e+00 : f32
    %max3A_63 = vector.broadcast %max3A_62 : f32 to vector<1000x48xf32>
    %max3A_64 = arith.maximumf %add3A_61, %max3A_63 : vector<1000x48xf32>
    %get3A_65 = arith.constant 0 : index
    %get3A_66 = arith.constant 0 : index
    %get3A_67 = vector.load %arg2[%get3A_65, %get3A_66] : memref<1000x1xi32, #tpu.memory_space<vmem>>, vector<1000x1xi32>
    %get3A_68 = arith.constant 0 : index
    %get3A_69 = arith.constant 0 : index
    %get3A_70 = vector.load %arg3[%get3A_68, %get3A_69] : memref<1000x1xi32, #tpu.memory_space<vmem>>, vector<1000x1xi32>
    %iota3A = tpu.iota {dimensions = array<i32: 1>} : vector<1000x100xi32>
    %eq3A = vector.broadcast %get3A_67 : vector<1000x1xi32> to vector<1000x100xi32>
    %eq3A_71 = arith.cmpi eq, %eq3A, %iota3A : vector<1000x100xi32>
    %convert_element_type3A = arith.extui %eq3A_71 : vector<1000x100xi1> to vector<1000x100xi32>
    %convert_element_type3A_72 = arith.sitofp %convert_element_type3A : vector<1000x100xi32> to vector<1000x100xf32>
    %iota3A_73 = tpu.iota {dimensions = array<i32: 1>} : vector<1000x30xi32>
    %eq3A_74 = vector.broadcast %get3A_70 : vector<1000x1xi32> to vector<1000x30xi32>
    %eq3A_75 = arith.cmpi eq, %eq3A_74, %iota3A_73 : vector<1000x30xi32>
    %convert_element_type3A_76 = arith.extui %eq3A_75 : vector<1000x30xi1> to vector<1000x30xi32>
    %convert_element_type3A_77 = arith.sitofp %convert_element_type3A_76 : vector<1000x30xi32> to vector<1000x30xf32>
    %get3A_78 = arith.constant 0 : index
    %get3A_79 = arith.constant 0 : index
    %get3A_80 = vector.load %arg4[%get3A_78, %get3A_79] : memref<100x48xf32, #tpu.memory_space<vmem>>, vector<100x48xf32>
    %dot_general3A_81 = arith.constant dense<0.000000e+00> : vector<1000x48xf32>
    %dot_general3A_82 = tpu.matmul %convert_element_type3A_72, %get3A_80, %dot_general3A_81 {dimension_numbers = #tpu.dot_dimension_numbers<[1], [0], [0], [1], [0, 0, 1, 1], [], []>, transpose_lhs_hint = false} : vector<1000x100xf32>, vector<100x48xf32>, vector<1000x48xf32> -> vector<1000x48xf32>
    %get3A_83 = arith.constant 0 : index
    %get3A_84 = arith.constant 0 : index
    %get3A_85 = vector.load %arg5[%get3A_83, %get3A_84] : memref<30x48xf32, #tpu.memory_space<vmem>>, vector<30x48xf32>
    %dot_general3A_86 = arith.constant dense<0.000000e+00> : vector<1000x48xf32>
    %dot_general3A_87 = tpu.matmul %convert_element_type3A_77, %get3A_85, %dot_general3A_86 {dimension_numbers = #tpu.dot_dimension_numbers<[1], [0], [0], [1], [0, 0, 1, 1], [], []>, transpose_lhs_hint = false} : vector<1000x30xf32>, vector<30x48xf32>, vector<1000x48xf32> -> vector<1000x48xf32>
    %add3A_88 = arith.addf %max3A_64, %dot_general3A_82 : vector<1000x48xf32>
    %add3A_89 = arith.addf %add3A_88, %dot_general3A_87 : vector<1000x48xf32>
    %get3A_90 = arith.constant 0 : index
    %get3A_91 = arith.constant 0 : index
    %get3A_92 = vector.load %arg14[%get3A_90, %get3A_91] : memref<1x48xf32, #tpu.memory_space<vmem>>, vector<1x48xf32>
    %get3A_93 = arith.constant 0 : index
    %get3A_94 = arith.constant 0 : index
    %get3A_95 = vector.load %arg15[%get3A_93, %get3A_94] : memref<1x48xf32, #tpu.memory_space<vmem>>, vector<1x48xf32>
    %reduce_sum3A_96 = arith.constant dense<0.000000e+00> : vector<1000xf32>
    %reduce_sum3A_97 = vector.multi_reduction <add>, %add3A_89, %reduce_sum3A_96 [1] : vector<1000x48xf32> to vector<1000xf32>
    %broadcast_in_dim3A_98 = vector.shape_cast %reduce_sum3A_97 : vector<1000xf32> to vector<1000x1xf32>
    %div3A_99 = arith.constant 4.800000e+01 : f32
    %div3A_100 = vector.broadcast %div3A_99 : f32 to vector<1000x1xf32>
    %div3A_101 = arith.divf %broadcast_in_dim3A_98, %div3A_100 : vector<1000x1xf32>
    %mul3A_102 = arith.mulf %add3A_89, %add3A_89 : vector<1000x48xf32>
    %reduce_sum3A_103 = arith.constant dense<0.000000e+00> : vector<1000xf32>
    %reduce_sum3A_104 = vector.multi_reduction <add>, %mul3A_102, %reduce_sum3A_103 [1] : vector<1000x48xf32> to vector<1000xf32>
    %broadcast_in_dim3A_105 = vector.shape_cast %reduce_sum3A_104 : vector<1000xf32> to vector<1000x1xf32>
    %div3A_106 = arith.constant 4.800000e+01 : f32
    %div3A_107 = vector.broadcast %div3A_106 : f32 to vector<1000x1xf32>
    %div3A_108 = arith.divf %broadcast_in_dim3A_105, %div3A_107 : vector<1000x1xf32>
    %mul3A_109 = arith.mulf %div3A_101, %div3A_101 : vector<1000x1xf32>
    %sub3A_110 = arith.subf %div3A_108, %mul3A_109 : vector<1000x1xf32>
    %sub3A_111 = vector.broadcast %div3A_101 : vector<1000x1xf32> to vector<1000x48xf32>
    %sub3A_112 = arith.subf %add3A_89, %sub3A_111 : vector<1000x48xf32>
    %add3A_113 = arith.constant 9.99999974E-6 : f32
    %add3A_114 = vector.broadcast %add3A_113 : f32 to vector<1000x1xf32>
    %add3A_115 = arith.addf %sub3A_110, %add3A_114 : vector<1000x1xf32>
    %rsqrt3A_116 = math.rsqrt %add3A_115 : vector<1000x1xf32>
    %mul3A_117 = vector.broadcast %rsqrt3A_116 : vector<1000x1xf32> to vector<1000x48xf32>
    %mul3A_118 = arith.mulf %sub3A_112, %mul3A_117 : vector<1000x48xf32>
    %mul3A_119 = vector.broadcast %get3A_92 : vector<1x48xf32> to vector<1000x48xf32>
    %mul3A_120 = arith.mulf %mul3A_118, %mul3A_119 : vector<1000x48xf32>
    %add3A_121 = vector.broadcast %get3A_95 : vector<1x48xf32> to vector<1000x48xf32>
    %add3A_122 = arith.addf %mul3A_120, %add3A_121 : vector<1000x48xf32>
    %swap3A = arith.constant 0 : index
    %swap3A_123 = arith.constant 0 : index
    %swap3A_124 = vector.load %arg16[%swap3A, %swap3A_123] : memref<1000x48xf32, #tpu.memory_space<vmem>>, vector<1000x48xf32>
    tpu.vector_store %arg16[%swap3A, %swap3A_123], %add3A_122 {strides = array<i32>} : memref<1000x48xf32, #tpu.memory_space<vmem>>, vector<1000x48xf32>,
    return
  }
  func.func @transform_0(%arg0: i32) -> (i32, i32) {
    %c0_i32 = arith.constant 0 : i32
    %c0_i32_0 = arith.constant 0 : i32
    return %arg0, %c0_i32 : i32, i32
  }
  func.func @transform_1(%arg0: i32) -> (i32, i32) {
    %c0_i32 = arith.constant 0 : i32
    %c0_i32_0 = arith.constant 0 : i32
    return %arg0, %c0_i32 : i32, i32
  }
  func.func @transform_2(%arg0: i32) -> (i32, i32) {
    %c0_i32 = arith.constant 0 : i32
    %c0_i32_0 = arith.constant 0 : i32
    return %arg0, %c0_i32 : i32, i32
  }
  func.func @transform_3(%arg0: i32) -> (i32, i32) {
    %c0_i32 = arith.constant 0 : i32
    %c0_i32_0 = arith.constant 0 : i32
    %c0_i32_1 = arith.constant 0 : i32
    return %c0_i32, %c0_i32_0 : i32, i32
  }
  func.func @transform_4(%arg0: i32) -> (i32, i32) {
    %c0_i32 = arith.constant 0 : i32
    %c0_i32_0 = arith.constant 0 : i32
    %c0_i32_1 = arith.constant 0 : i32
    return %c0_i32, %c0_i32_0 : i32, i32
  }
  func.func @transform_5(%arg0: i32) -> (i32, i32) {
    %c0_i32 = arith.constant 0 : i32
    %c0_i32_0 = arith.constant 0 : i32
    %c0_i32_1 = arith.constant 0 : i32
    return %c0_i32, %c0_i32_0 : i32, i32
  }
  func.func @transform_6(%arg0: i32) -> (i32, i32) {
    %c0_i32 = arith.constant 0 : i32
    %c0_i32_0 = arith.constant 0 : i32
    %c0_i32_1 = arith.constant 0 : i32
    return %c0_i32, %c0_i32_0 : i32, i32
  }
  func.func @transform_7(%arg0: i32) -> (i32, i32) {
    %c0_i32 = arith.constant 0 : i32
    %c0_i32_0 = arith.constant 0 : i32
    %c0_i32_1 = arith.constant 0 : i32
    return %c0_i32, %c0_i32_0 : i32, i32
  }
  func.func @transform_8(%arg0: i32) -> (i32, i32) {
    %c0_i32 = arith.constant 0 : i32
    %c0_i32_0 = arith.constant 0 : i32
    %c0_i32_1 = arith.constant 0 : i32
    return %c0_i32, %c0_i32_0 : i32, i32
  }
  func.func @transform_9(%arg0: i32) -> (i32, i32) {
    %c0_i32 = arith.constant 0 : i32
    %c0_i32_0 = arith.constant 0 : i32
    %c0_i32_1 = arith.constant 0 : i32
    return %c0_i32, %c0_i32_0 : i32, i32
  }
  func.func @transform_10(%arg0: i32) -> (i32, i32) {
    %c0_i32 = arith.constant 0 : i32
    %c0_i32_0 = arith.constant 0 : i32
    %c0_i32_1 = arith.constant 0 : i32
    return %c0_i32, %c0_i32_0 : i32, i32
  }
  func.func @transform_11(%arg0: i32) -> (i32, i32) {
    %c0_i32 = arith.constant 0 : i32
    %c0_i32_0 = arith.constant 0 : i32
    %c0_i32_1 = arith.constant 0 : i32
    return %c0_i32, %c0_i32_0 : i32, i32
  }
  func.func @transform_12(%arg0: i32) -> (i32, i32) {
    %c0_i32 = arith.constant 0 : i32
    %c0_i32_0 = arith.constant 0 : i32
    %c0_i32_1 = arith.constant 0 : i32
    return %c0_i32, %c0_i32_0 : i32, i32
  }
  func.func @transform_13(%arg0: i32) -> (i32, i32) {
    %c0_i32 = arith.constant 0 : i32
    %c0_i32_0 = arith.constant 0 : i32
    %c0_i32_1 = arith.constant 0 : i32
    return %c0_i32, %c0_i32_0 : i32, i32
  }
  func.func @transform_14(%arg0: i32) -> (i32, i32) {
    %c0_i32 = arith.constant 0 : i32
    %c0_i32_0 = arith.constant 0 : i32
    %c0_i32_1 = arith.constant 0 : i32
    return %c0_i32, %c0_i32_0 : i32, i32
  }
  func.func @transform_15(%arg0: i32) -> (i32, i32) {
    %c0_i32 = arith.constant 0 : i32
    %c0_i32_0 = arith.constant 0 : i32
    return %arg0, %c0_i32 : i32, i32
  }
}

module attributes {stable_mosaic.version = 14 : i64} {
  func.func @_pass1_body(%arg0: i32, %arg1: memref<3072x128xf32, #tpu.memory_space<vmem>>, %arg2: memref<3072x128xf32, #tpu.memory_space<vmem>>, %arg3: memref<48x32xf32, #tpu.memory_space<vmem>>, %arg4: memref<1x32xf32, #tpu.memory_space<vmem>>, %arg5: memref<1x32xf32, #tpu.memory_space<vmem>>, %arg6: memref<1x32xf32, #tpu.memory_space<vmem>>, %arg7: memref<32x32xf32, #tpu.memory_space<vmem>>, %arg8: memref<1x32xf32, #tpu.memory_space<vmem>>, %arg9: memref<16x32xf32, #tpu.memory_space<vmem>>) attributes {dimension_semantics = [#tpu.dimension_semantics<arbitrary>], iteration_bounds = array<i64: 108>, scalar_prefetch = 0 : i64, scratch_operands = 0 : i64, tpu.core_type = #tpu.core_type<tc>, window_params = [{transform_indices = @transform_0, window_bounds = array<i64: 3072, 128>}, {transform_indices = @transform_1, window_bounds = array<i64: 3072, 128>}, {pipeline_mode = #tpu.pipeline_mode<synchronous>, transform_indices = @transform_2, window_bounds = array<i64: 48, 32>}, {pipeline_mode = #tpu.pipeline_mode<synchronous>, transform_indices = @transform_3, window_bounds = array<i64: 1, 32>}, {pipeline_mode = #tpu.pipeline_mode<synchronous>, transform_indices = @transform_4, window_bounds = array<i64: 1, 32>}, {pipeline_mode = #tpu.pipeline_mode<synchronous>, transform_indices = @transform_5, window_bounds = array<i64: 1, 32>}, {pipeline_mode = #tpu.pipeline_mode<synchronous>, transform_indices = @transform_6, window_bounds = array<i64: 32, 32>}, {pipeline_mode = #tpu.pipeline_mode<synchronous>, transform_indices = @transform_7, window_bounds = array<i64: 1, 32>}, {pipeline_mode = #tpu.pipeline_mode<synchronous>, transform_indices = @transform_8, window_bounds = array<i64: 16, 32>}]} {
    %get3A = arith.constant 0 : index
    %get3A_0 = arith.constant 0 : index
    %get3A_1 = vector.load %arg1[%get3A, %get3A_0] : memref<3072x128xf32, #tpu.memory_space<vmem>>, vector<3072x48xf32>
    %get3A_2 = arith.constant 0 : index
    %get3A_3 = arith.constant 0 : index
    %get3A_4 = vector.load %arg2[%get3A_2, %get3A_3] : memref<3072x128xf32, #tpu.memory_space<vmem>>, vector<3072x48xf32>
    %get3A_5 = arith.constant 0 : index
    %get3A_6 = arith.constant 0 : index
    %get3A_7 = vector.load %arg3[%get3A_5, %get3A_6] : memref<48x32xf32, #tpu.memory_space<vmem>>, vector<48x32xf32>
    %get3A_8 = arith.constant 0 : index
    %get3A_9 = arith.constant 0 : index
    %get3A_10 = vector.load %arg4[%get3A_8, %get3A_9] : memref<1x32xf32, #tpu.memory_space<vmem>>, vector<1x32xf32>
    %get3A_11 = arith.constant 0 : index
    %get3A_12 = arith.constant 0 : index
    %get3A_13 = vector.load %arg5[%get3A_11, %get3A_12] : memref<1x32xf32, #tpu.memory_space<vmem>>, vector<1x32xf32>
    %get3A_14 = arith.constant 0 : index
    %get3A_15 = arith.constant 0 : index
    %get3A_16 = vector.load %arg6[%get3A_14, %get3A_15] : memref<1x32xf32, #tpu.memory_space<vmem>>, vector<1x32xf32>
    %dot_general3A = arith.constant dense<0.000000e+00> : vector<3072x32xf32>
    %dot_general3A_17 = tpu.matmul %get3A_1, %get3A_7, %dot_general3A {dimension_numbers = #tpu.dot_dimension_numbers<[1], [0], [0], [1], [0, 0, 1, 1], [], []>, transpose_lhs_hint = false} : vector<3072x48xf32>, vector<48x32xf32>, vector<3072x32xf32> -> vector<3072x32xf32>
    %add3A = vector.broadcast %get3A_10 : vector<1x32xf32> to vector<3072x32xf32>
    %add3A_18 = arith.addf %dot_general3A_17, %add3A : vector<3072x32xf32>
    %max3A = arith.constant 0.000000e+00 : f32
    %max3A_19 = vector.broadcast %max3A : f32 to vector<3072x32xf32>
    %max3A_20 = arith.maximumf %add3A_18, %max3A_19 : vector<3072x32xf32>
    %dot_general3A_21 = arith.constant dense<0.000000e+00> : vector<3072x32xf32>
    %dot_general3A_22 = tpu.matmul %get3A_4, %get3A_7, %dot_general3A_21 {dimension_numbers = #tpu.dot_dimension_numbers<[1], [0], [0], [1], [0, 0, 1, 1], [], []>, transpose_lhs_hint = false} : vector<3072x48xf32>, vector<48x32xf32>, vector<3072x32xf32> -> vector<3072x32xf32>
    %add3A_23 = vector.broadcast %get3A_10 : vector<1x32xf32> to vector<3072x32xf32>
    %add3A_24 = arith.addf %dot_general3A_22, %add3A_23 : vector<3072x32xf32>
    %max3A_25 = arith.constant 0.000000e+00 : f32
    %max3A_26 = vector.broadcast %max3A_25 : f32 to vector<3072x32xf32>
    %max3A_27 = arith.maximumf %add3A_24, %max3A_26 : vector<3072x32xf32>
    %add3A_28 = arith.addf %max3A_20, %max3A_27 : vector<3072x32xf32>
    %mul3A = arith.constant 5.000000e-01 : f32
    %mul3A_29 = vector.broadcast %mul3A : f32 to vector<3072x32xf32>
    %mul3A_30 = arith.mulf %add3A_28, %mul3A_29 : vector<3072x32xf32>
    %reduce_sum3A = arith.constant dense<0.000000e+00> : vector<3072xf32>
    %reduce_sum3A_31 = vector.multi_reduction <add>, %mul3A_30, %reduce_sum3A [1] : vector<3072x32xf32> to vector<3072xf32>
    %broadcast_in_dim3A = vector.shape_cast %reduce_sum3A_31 : vector<3072xf32> to vector<3072x1xf32>
    %div3A = arith.constant 3.200000e+01 : f32
    %div3A_32 = vector.broadcast %div3A : f32 to vector<3072x1xf32>
    %div3A_33 = arith.divf %broadcast_in_dim3A, %div3A_32 : vector<3072x1xf32>
    %mul3A_34 = arith.mulf %mul3A_30, %mul3A_30 : vector<3072x32xf32>
    %reduce_sum3A_35 = arith.constant dense<0.000000e+00> : vector<3072xf32>
    %reduce_sum3A_36 = vector.multi_reduction <add>, %mul3A_34, %reduce_sum3A_35 [1] : vector<3072x32xf32> to vector<3072xf32>
    %broadcast_in_dim3A_37 = vector.shape_cast %reduce_sum3A_36 : vector<3072xf32> to vector<3072x1xf32>
    %div3A_38 = arith.constant 3.200000e+01 : f32
    %div3A_39 = vector.broadcast %div3A_38 : f32 to vector<3072x1xf32>
    %div3A_40 = arith.divf %broadcast_in_dim3A_37, %div3A_39 : vector<3072x1xf32>
    %mul3A_41 = arith.mulf %div3A_33, %div3A_33 : vector<3072x1xf32>
    %sub3A = arith.subf %div3A_40, %mul3A_41 : vector<3072x1xf32>
    %sub3A_42 = vector.broadcast %div3A_33 : vector<3072x1xf32> to vector<3072x32xf32>
    %sub3A_43 = arith.subf %mul3A_30, %sub3A_42 : vector<3072x32xf32>
    %add3A_44 = arith.constant 9.99999974E-6 : f32
    %add3A_45 = vector.broadcast %add3A_44 : f32 to vector<3072x1xf32>
    %add3A_46 = arith.addf %sub3A, %add3A_45 : vector<3072x1xf32>
    %rsqrt3A = math.rsqrt %add3A_46 : vector<3072x1xf32>
    %mul3A_47 = vector.broadcast %rsqrt3A : vector<3072x1xf32> to vector<3072x32xf32>
    %mul3A_48 = arith.mulf %sub3A_43, %mul3A_47 : vector<3072x32xf32>
    %mul3A_49 = vector.broadcast %get3A_13 : vector<1x32xf32> to vector<3072x32xf32>
    %mul3A_50 = arith.mulf %mul3A_48, %mul3A_49 : vector<3072x32xf32>
    %add3A_51 = vector.broadcast %get3A_16 : vector<1x32xf32> to vector<3072x32xf32>
    %add3A_52 = arith.addf %mul3A_50, %add3A_51 : vector<3072x32xf32>
    %get3A_53 = arith.constant 0 : index
    %get3A_54 = arith.constant 0 : index
    %get3A_55 = vector.load %arg7[%get3A_53, %get3A_54] : memref<32x32xf32, #tpu.memory_space<vmem>>, vector<32x32xf32>
    %dot_general3A_56 = arith.constant dense<0.000000e+00> : vector<3072x32xf32>
    %dot_general3A_57 = tpu.matmul %add3A_52, %get3A_55, %dot_general3A_56 {dimension_numbers = #tpu.dot_dimension_numbers<[1], [0], [0], [1], [0, 0, 1, 1], [], []>, transpose_lhs_hint = false} : vector<3072x32xf32>, vector<32x32xf32>, vector<3072x32xf32> -> vector<3072x32xf32>
    %get3A_58 = arith.constant 0 : index
    %get3A_59 = arith.constant 0 : index
    %get3A_60 = vector.load %arg8[%get3A_58, %get3A_59] : memref<1x32xf32, #tpu.memory_space<vmem>>, vector<1x32xf32>
    %add3A_61 = vector.broadcast %get3A_60 : vector<1x32xf32> to vector<3072x32xf32>
    %add3A_62 = arith.addf %dot_general3A_57, %add3A_61 : vector<3072x32xf32>
    %max3A_63 = arith.constant 0.000000e+00 : f32
    %max3A_64 = vector.broadcast %max3A_63 : f32 to vector<3072x32xf32>
    %max3A_65 = arith.maximumf %add3A_62, %max3A_64 : vector<3072x32xf32>
    %iota3A = tpu.iota {dimensions = array<i32: 1>} : vector<16x3072xi32>
    %mul3A_66 = arith.constant 3072 : i32
    %mul3A_67 = arith.muli %arg0, %mul3A_66 : i32
    %add3A_68 = vector.broadcast %mul3A_67 : i32 to vector<16x3072xi32>
    %add3A_69 = arith.addi %iota3A, %add3A_68 : vector<16x3072xi32>
    %lt3A = arith.constant 320000 : i32
    %lt3A_70 = vector.broadcast %lt3A : i32 to vector<16x3072xi32>
    %lt3A_71 = arith.cmpi slt, %add3A_69, %lt3A_70 : vector<16x3072xi32>
    %jit3A = arith.constant 32000 : i32
    %div3A_72 = vector.broadcast %jit3A : i32 to vector<16x3072xi32>
    %div3A_73 = arith.divsi %add3A_69, %div3A_72 : vector<16x3072xi32>
    %sign3A = arith.constant 0 : i32
    %sign3A_74 = vector.broadcast %sign3A : i32 to vector<16x3072xi32>
    %sign3A_75 = arith.cmpi sgt, %add3A_69, %sign3A_74 : vector<16x3072xi32>
    %sign3A_76 = arith.extui %sign3A_75 : vector<16x3072xi1> to vector<16x3072xi32>
    %sign3A_77 = arith.constant 0 : i32
    %sign3A_78 = vector.broadcast %sign3A_77 : i32 to vector<16x3072xi32>
    %sign3A_79 = arith.cmpi slt, %add3A_69, %sign3A_78 : vector<16x3072xi32>
    %sign3A_80 = arith.extui %sign3A_79 : vector<16x3072xi1> to vector<16x3072xi32>
    %sign3A_81 = arith.subi %sign3A_76, %sign3A_80 : vector<16x3072xi32>
    %sign3A_82 = arith.constant 0 : i32
    %sign3A_83 = arith.cmpi sgt, %jit3A, %sign3A_82 : i32
    %sign3A_84 = arith.extui %sign3A_83 : i1 to i32
    %sign3A_85 = arith.constant 0 : i32
    %sign3A_86 = arith.cmpi slt, %jit3A, %sign3A_85 : i32
    %sign3A_87 = arith.extui %sign3A_86 : i1 to i32
    %sign3A_88 = arith.subi %sign3A_84, %sign3A_87 : i32
    %ne3A = vector.broadcast %sign3A_88 : i32 to vector<16x3072xi32>
    %ne3A_89 = arith.cmpi ne, %sign3A_81, %ne3A : vector<16x3072xi32>
    %rem3A = vector.broadcast %jit3A : i32 to vector<16x3072xi32>
    %rem3A_90 = arith.remsi %add3A_69, %rem3A : vector<16x3072xi32>
    %ne3A_91 = arith.constant 0 : i32
    %ne3A_92 = vector.broadcast %ne3A_91 : i32 to vector<16x3072xi32>
    %ne3A_93 = arith.cmpi ne, %rem3A_90, %ne3A_92 : vector<16x3072xi32>
    %and3A = arith.andi %ne3A_89, %ne3A_93 : vector<16x3072xi1>
    %sub3A_94 = arith.constant 1 : i32
    %sub3A_95 = vector.broadcast %sub3A_94 : i32 to vector<16x3072xi32>
    %sub3A_96 = arith.subi %div3A_73, %sub3A_95 : vector<16x3072xi32>
    %select_n3A = arith.select %and3A, %sub3A_96, %div3A_73 : vector<16x3072xi1>, vector<16x3072xi32>
    %sub3A_97 = arith.constant 320000 : i32
    %sub3A_98 = vector.broadcast %sub3A_97 : i32 to vector<16x3072xi32>
    %sub3A_99 = arith.subi %add3A_69, %sub3A_98 : vector<16x3072xi32>
    %jit3A_100 = arith.constant 1000 : i32
    %div3A_101 = vector.broadcast %jit3A_100 : i32 to vector<16x3072xi32>
    %div3A_102 = arith.divsi %sub3A_99, %div3A_101 : vector<16x3072xi32>
    %sign3A_103 = arith.constant 0 : i32
    %sign3A_104 = vector.broadcast %sign3A_103 : i32 to vector<16x3072xi32>
    %sign3A_105 = arith.cmpi sgt, %sub3A_99, %sign3A_104 : vector<16x3072xi32>
    %sign3A_106 = arith.extui %sign3A_105 : vector<16x3072xi1> to vector<16x3072xi32>
    %sign3A_107 = arith.constant 0 : i32
    %sign3A_108 = vector.broadcast %sign3A_107 : i32 to vector<16x3072xi32>
    %sign3A_109 = arith.cmpi slt, %sub3A_99, %sign3A_108 : vector<16x3072xi32>
    %sign3A_110 = arith.extui %sign3A_109 : vector<16x3072xi1> to vector<16x3072xi32>
    %sign3A_111 = arith.subi %sign3A_106, %sign3A_110 : vector<16x3072xi32>
    %sign3A_112 = arith.constant 0 : i32
    %sign3A_113 = arith.cmpi sgt, %jit3A_100, %sign3A_112 : i32
    %sign3A_114 = arith.extui %sign3A_113 : i1 to i32
    %sign3A_115 = arith.constant 0 : i32
    %sign3A_116 = arith.cmpi slt, %jit3A_100, %sign3A_115 : i32
    %sign3A_117 = arith.extui %sign3A_116 : i1 to i32
    %sign3A_118 = arith.subi %sign3A_114, %sign3A_117 : i32
    %ne3A_119 = vector.broadcast %sign3A_118 : i32 to vector<16x3072xi32>
    %ne3A_120 = arith.cmpi ne, %sign3A_111, %ne3A_119 : vector<16x3072xi32>
    %rem3A_121 = vector.broadcast %jit3A_100 : i32 to vector<16x3072xi32>
    %rem3A_122 = arith.remsi %sub3A_99, %rem3A_121 : vector<16x3072xi32>
    %ne3A_123 = arith.constant 0 : i32
    %ne3A_124 = vector.broadcast %ne3A_123 : i32 to vector<16x3072xi32>
    %ne3A_125 = arith.cmpi ne, %rem3A_122, %ne3A_124 : vector<16x3072xi32>
    %and3A_126 = arith.andi %ne3A_120, %ne3A_125 : vector<16x3072xi1>
    %sub3A_127 = arith.constant 1 : i32
    %sub3A_128 = vector.broadcast %sub3A_127 : i32 to vector<16x3072xi32>
    %sub3A_129 = arith.subi %div3A_102, %sub3A_128 : vector<16x3072xi32>
    %select_n3A_130 = arith.select %and3A_126, %sub3A_129, %div3A_102 : vector<16x3072xi1>, vector<16x3072xi32>
    %select_n3A_131 = arith.select %lt3A_71, %select_n3A, %select_n3A_130 : vector<16x3072xi1>, vector<16x3072xi32>
    %lt3A_132 = arith.constant 330000 : i32
    %lt3A_133 = vector.broadcast %lt3A_132 : i32 to vector<16x3072xi32>
    %lt3A_134 = arith.cmpi slt, %add3A_69, %lt3A_133 : vector<16x3072xi32>
    %jit3A_135 = arith.constant -1 : i32
    %broadcast_in_dim3A_136 = vector.broadcast %jit3A_135 : i32 to vector<16x3072xi32>
    %select_n3A_137 = arith.select %lt3A_134, %select_n3A_131, %broadcast_in_dim3A_136 : vector<16x3072xi1>, vector<16x3072xi32>
    %iota3A_138 = tpu.iota {dimensions = array<i32: 0>} : vector<16x3072xi32>
    %eq3A = arith.cmpi eq, %select_n3A_137, %iota3A_138 : vector<16x3072xi32>
    %convert_element_type3A = arith.extui %eq3A : vector<16x3072xi1> to vector<16x3072xi32>
    %convert_element_type3A_139 = arith.sitofp %convert_element_type3A : vector<16x3072xi32> to vector<16x3072xf32>
    %dot_general3A_140 = arith.constant dense<0.000000e+00> : vector<16x32xf32>
    %dot_general3A_141 = tpu.matmul %convert_element_type3A_139, %max3A_65, %dot_general3A_140 {dimension_numbers = #tpu.dot_dimension_numbers<[1], [0], [0], [1], [0, 0, 1, 1], [], []>, transpose_lhs_hint = false} : vector<16x3072xf32>, vector<3072x32xf32>, vector<16x32xf32> -> vector<16x32xf32>
    %eq3A_142 = arith.constant 0 : i32
    %eq3A_143 = arith.cmpi eq, %arg0, %eq3A_142 : i32
    %convert_element_type3A_144 = arith.extui %eq3A_143 : i1 to i32
    %cond3A = arith.constant 0 : i32
    %cond3A_145 = arith.cmpi ne, %convert_element_type3A_144, %cond3A : i32
    scf.if %cond3A_145 {
      %broadcast_in_dim3A_152 = arith.constant 0.000000e+00 : f32
      %broadcast_in_dim3A_153 = vector.broadcast %broadcast_in_dim3A_152 : f32 to vector<16x32xf32>
      %swap3A_154 = arith.constant 0 : index
      %swap3A_155 = arith.constant 0 : index
      %swap3A_156 = vector.load %arg9[%swap3A_154, %swap3A_155] : memref<16x32xf32, #tpu.memory_space<vmem>>, vector<16x32xf32>
      tpu.vector_store %arg9[%swap3A_154, %swap3A_155], %broadcast_in_dim3A_153 {strides = array<i32>} : memref<16x32xf32, #tpu.memory_space<vmem>>, vector<16x32xf32>,
    } else {
    }
    %get3A_146 = arith.constant 0 : index
    %get3A_147 = arith.constant 0 : index
    %get3A_148 = vector.load %arg9[%get3A_146, %get3A_147] : memref<16x32xf32, #tpu.memory_space<vmem>>, vector<16x32xf32>
    %add3A_149 = arith.addf %get3A_148, %dot_general3A_141 : vector<16x32xf32>
    %swap3A = arith.constant 0 : index
    %swap3A_150 = arith.constant 0 : index
    %swap3A_151 = vector.load %arg9[%swap3A, %swap3A_150] : memref<16x32xf32, #tpu.memory_space<vmem>>, vector<16x32xf32>
    tpu.vector_store %arg9[%swap3A, %swap3A_150], %add3A_149 {strides = array<i32>} : memref<16x32xf32, #tpu.memory_space<vmem>>, vector<16x32xf32>,
    return
  }
  func.func @transform_0(%arg0: i32) -> (i32, i32) {
    %c0_i32 = arith.constant 0 : i32
    %c0_i32_0 = arith.constant 0 : i32
    return %arg0, %c0_i32 : i32, i32
  }
  func.func @transform_1(%arg0: i32) -> (i32, i32) {
    %c0_i32 = arith.constant 0 : i32
    %c0_i32_0 = arith.constant 0 : i32
    return %arg0, %c0_i32 : i32, i32
  }
  func.func @transform_2(%arg0: i32) -> (i32, i32) {
    %c0_i32 = arith.constant 0 : i32
    %c0_i32_0 = arith.constant 0 : i32
    %c0_i32_1 = arith.constant 0 : i32
    return %c0_i32, %c0_i32_0 : i32, i32
  }
  func.func @transform_3(%arg0: i32) -> (i32, i32) {
    %c0_i32 = arith.constant 0 : i32
    %c0_i32_0 = arith.constant 0 : i32
    %c0_i32_1 = arith.constant 0 : i32
    return %c0_i32, %c0_i32_0 : i32, i32
  }
  func.func @transform_4(%arg0: i32) -> (i32, i32) {
    %c0_i32 = arith.constant 0 : i32
    %c0_i32_0 = arith.constant 0 : i32
    %c0_i32_1 = arith.constant 0 : i32
    return %c0_i32, %c0_i32_0 : i32, i32
  }
  func.func @transform_5(%arg0: i32) -> (i32, i32) {
    %c0_i32 = arith.constant 0 : i32
    %c0_i32_0 = arith.constant 0 : i32
    %c0_i32_1 = arith.constant 0 : i32
    return %c0_i32, %c0_i32_0 : i32, i32
  }
  func.func @transform_6(%arg0: i32) -> (i32, i32) {
    %c0_i32 = arith.constant 0 : i32
    %c0_i32_0 = arith.constant 0 : i32
    %c0_i32_1 = arith.constant 0 : i32
    return %c0_i32, %c0_i32_0 : i32, i32
  }
  func.func @transform_7(%arg0: i32) -> (i32, i32) {
    %c0_i32 = arith.constant 0 : i32
    %c0_i32_0 = arith.constant 0 : i32
    %c0_i32_1 = arith.constant 0 : i32
    return %c0_i32, %c0_i32_0 : i32, i32
  }
  func.func @transform_8(%arg0: i32) -> (i32, i32) {
    %c0_i32 = arith.constant 0 : i32
    %c0_i32_0 = arith.constant 0 : i32
    %c0_i32_1 = arith.constant 0 : i32
    return %c0_i32, %c0_i32_0 : i32, i32
  }
}

module attributes {stable_mosaic.version = 14 : i64} {
  func.func @_pass2_body(%arg0: i32, %arg1: memref<3072x128xf32, #tpu.memory_space<vmem>>, %arg2: memref<3072x128xf32, #tpu.memory_space<vmem>>, %arg3: memref<16x32xf32, #tpu.memory_space<vmem>>, %arg4: memref<48x32xf32, #tpu.memory_space<vmem>>, %arg5: memref<1x32xf32, #tpu.memory_space<vmem>>, %arg6: memref<1x32xf32, #tpu.memory_space<vmem>>, %arg7: memref<1x32xf32, #tpu.memory_space<vmem>>, %arg8: memref<1x32xf32, #tpu.memory_space<vmem>>, %arg9: memref<1x32xf32, #tpu.memory_space<vmem>>, %arg10: memref<48x128xf32, #tpu.memory_space<vmem>>, %arg11: memref<48x128xf32, #tpu.memory_space<vmem>>, %arg12: memref<32x128xf32, #tpu.memory_space<vmem>>, %arg13: memref<32x128xf32, #tpu.memory_space<vmem>>, %arg14: memref<1x128xf32, #tpu.memory_space<vmem>>, %arg15: memref<128x32xf32, #tpu.memory_space<vmem>>, %arg16: memref<1x32xf32, #tpu.memory_space<vmem>>, %arg17: memref<1x32xf32, #tpu.memory_space<vmem>>, %arg18: memref<1x32xf32, #tpu.memory_space<vmem>>, %arg19: memref<32x3072xf32, #tpu.memory_space<vmem>>) attributes {dimension_semantics = [#tpu.dimension_semantics<arbitrary>], iteration_bounds = array<i64: 108>, scalar_prefetch = 0 : i64, scratch_operands = 0 : i64, tpu.core_type = #tpu.core_type<tc>, window_params = [{transform_indices = @transform_0, window_bounds = array<i64: 3072, 128>}, {transform_indices = @transform_1, window_bounds = array<i64: 3072, 128>}, {pipeline_mode = #tpu.pipeline_mode<synchronous>, transform_indices = @transform_2, window_bounds = array<i64: 16, 32>}, {pipeline_mode = #tpu.pipeline_mode<synchronous>, transform_indices = @transform_3, window_bounds = array<i64: 48, 32>}, {pipeline_mode = #tpu.pipeline_mode<synchronous>, transform_indices = @transform_4, window_bounds = array<i64: 1, 32>}, {pipeline_mode = #tpu.pipeline_mode<synchronous>, transform_indices = @transform_5, window_bounds = array<i64: 1, 32>}, {pipeline_mode = #tpu.pipeline_mode<synchronous>, transform_indices = @transform_6, window_bounds = array<i64: 1, 32>}, {pipeline_mode = #tpu.pipeline_mode<synchronous>, transform_indices = @transform_7, window_bounds = array<i64: 1, 32>}, {pipeline_mode = #tpu.pipeline_mode<synchronous>, transform_indices = @transform_8, window_bounds = array<i64: 1, 32>}, {pipeline_mode = #tpu.pipeline_mode<synchronous>, transform_indices = @transform_9, window_bounds = array<i64: 48, 128>}, {pipeline_mode = #tpu.pipeline_mode<synchronous>, transform_indices = @transform_10, window_bounds = array<i64: 48, 128>}, {pipeline_mode = #tpu.pipeline_mode<synchronous>, transform_indices = @transform_11, window_bounds = array<i64: 32, 128>}, {pipeline_mode = #tpu.pipeline_mode<synchronous>, transform_indices = @transform_12, window_bounds = array<i64: 32, 128>}, {pipeline_mode = #tpu.pipeline_mode<synchronous>, transform_indices = @transform_13, window_bounds = array<i64: 1, 128>}, {pipeline_mode = #tpu.pipeline_mode<synchronous>, transform_indices = @transform_14, window_bounds = array<i64: 128, 32>}, {pipeline_mode = #tpu.pipeline_mode<synchronous>, transform_indices = @transform_15, window_bounds = array<i64: 1, 32>}, {pipeline_mode = #tpu.pipeline_mode<synchronous>, transform_indices = @transform_16, window_bounds = array<i64: 1, 32>}, {pipeline_mode = #tpu.pipeline_mode<synchronous>, transform_indices = @transform_17, window_bounds = array<i64: 1, 32>}, {transform_indices = @transform_18, window_bounds = array<i64: 32, 3072>}]} {
    %get3A = arith.constant 0 : index
    %get3A_0 = arith.constant 0 : index
    %get3A_1 = vector.load %arg3[%get3A, %get3A_0] : memref<16x32xf32, #tpu.memory_space<vmem>>, vector<16x32xf32>
    %mul3A = arith.constant 3.03030301E-5 : f32
    %mul3A_2 = vector.broadcast %mul3A : f32 to vector<16x32xf32>
    %mul3A_3 = arith.mulf %get3A_1, %mul3A_2 : vector<16x32xf32>
    %get3A_4 = arith.constant 0 : index
    %get3A_5 = arith.constant 0 : index
    %get3A_6 = vector.load %arg8[%get3A_4, %get3A_5] : memref<1x32xf32, #tpu.memory_space<vmem>>, vector<1x32xf32>
    %get3A_7 = arith.constant 0 : index
    %get3A_8 = arith.constant 0 : index
    %get3A_9 = vector.load %arg9[%get3A_7, %get3A_8] : memref<1x32xf32, #tpu.memory_space<vmem>>, vector<1x32xf32>
    %reduce_sum3A = arith.constant dense<0.000000e+00> : vector<16xf32>
    %reduce_sum3A_10 = vector.multi_reduction <add>, %mul3A_3, %reduce_sum3A [1] : vector<16x32xf32> to vector<16xf32>
    %broadcast_in_dim3A = vector.shape_cast %reduce_sum3A_10 : vector<16xf32> to vector<16x1xf32>
    %div3A = arith.constant 3.200000e+01 : f32
    %div3A_11 = vector.broadcast %div3A : f32 to vector<16x1xf32>
    %div3A_12 = arith.divf %broadcast_in_dim3A, %div3A_11 : vector<16x1xf32>
    %mul3A_13 = arith.mulf %mul3A_3, %mul3A_3 : vector<16x32xf32>
    %reduce_sum3A_14 = arith.constant dense<0.000000e+00> : vector<16xf32>
    %reduce_sum3A_15 = vector.multi_reduction <add>, %mul3A_13, %reduce_sum3A_14 [1] : vector<16x32xf32> to vector<16xf32>
    %broadcast_in_dim3A_16 = vector.shape_cast %reduce_sum3A_15 : vector<16xf32> to vector<16x1xf32>
    %div3A_17 = arith.constant 3.200000e+01 : f32
    %div3A_18 = vector.broadcast %div3A_17 : f32 to vector<16x1xf32>
    %div3A_19 = arith.divf %broadcast_in_dim3A_16, %div3A_18 : vector<16x1xf32>
    %mul3A_20 = arith.mulf %div3A_12, %div3A_12 : vector<16x1xf32>
    %sub3A = arith.subf %div3A_19, %mul3A_20 : vector<16x1xf32>
    %sub3A_21 = vector.broadcast %div3A_12 : vector<16x1xf32> to vector<16x32xf32>
    %sub3A_22 = arith.subf %mul3A_3, %sub3A_21 : vector<16x32xf32>
    %add3A = arith.constant 9.99999974E-6 : f32
    %add3A_23 = vector.broadcast %add3A : f32 to vector<16x1xf32>
    %add3A_24 = arith.addf %sub3A, %add3A_23 : vector<16x1xf32>
    %rsqrt3A = math.rsqrt %add3A_24 : vector<16x1xf32>
    %mul3A_25 = vector.broadcast %rsqrt3A : vector<16x1xf32> to vector<16x32xf32>
    %mul3A_26 = arith.mulf %sub3A_22, %mul3A_25 : vector<16x32xf32>
    %mul3A_27 = vector.broadcast %get3A_6 : vector<1x32xf32> to vector<16x32xf32>
    %mul3A_28 = arith.mulf %mul3A_26, %mul3A_27 : vector<16x32xf32>
    %add3A_29 = vector.broadcast %get3A_9 : vector<1x32xf32> to vector<16x32xf32>
    %add3A_30 = arith.addf %mul3A_28, %add3A_29 : vector<16x32xf32>
    %iota3A = tpu.iota {dimensions = array<i32: 0>} : vector<3072x16xi32>
    %mul3A_31 = arith.constant 3072 : i32
    %mul3A_32 = arith.muli %arg0, %mul3A_31 : i32
    %add3A_33 = vector.broadcast %mul3A_32 : i32 to vector<3072x16xi32>
    %add3A_34 = arith.addi %iota3A, %add3A_33 : vector<3072x16xi32>
    %lt3A = arith.constant 320000 : i32
    %lt3A_35 = vector.broadcast %lt3A : i32 to vector<3072x16xi32>
    %lt3A_36 = arith.cmpi slt, %add3A_34, %lt3A_35 : vector<3072x16xi32>
    %jit3A = arith.constant 32000 : i32
    %div3A_37 = vector.broadcast %jit3A : i32 to vector<3072x16xi32>
    %div3A_38 = arith.divsi %add3A_34, %div3A_37 : vector<3072x16xi32>
    %sign3A = arith.constant 0 : i32
    %sign3A_39 = vector.broadcast %sign3A : i32 to vector<3072x16xi32>
    %sign3A_40 = arith.cmpi sgt, %add3A_34, %sign3A_39 : vector<3072x16xi32>
    %sign3A_41 = arith.extui %sign3A_40 : vector<3072x16xi1> to vector<3072x16xi32>
    %sign3A_42 = arith.constant 0 : i32
    %sign3A_43 = vector.broadcast %sign3A_42 : i32 to vector<3072x16xi32>
    %sign3A_44 = arith.cmpi slt, %add3A_34, %sign3A_43 : vector<3072x16xi32>
    %sign3A_45 = arith.extui %sign3A_44 : vector<3072x16xi1> to vector<3072x16xi32>
    %sign3A_46 = arith.subi %sign3A_41, %sign3A_45 : vector<3072x16xi32>
    %sign3A_47 = arith.constant 0 : i32
    %sign3A_48 = arith.cmpi sgt, %jit3A, %sign3A_47 : i32
    %sign3A_49 = arith.extui %sign3A_48 : i1 to i32
    %sign3A_50 = arith.constant 0 : i32
    %sign3A_51 = arith.cmpi slt, %jit3A, %sign3A_50 : i32
    %sign3A_52 = arith.extui %sign3A_51 : i1 to i32
    %sign3A_53 = arith.subi %sign3A_49, %sign3A_52 : i32
    %ne3A = vector.broadcast %sign3A_53 : i32 to vector<3072x16xi32>
    %ne3A_54 = arith.cmpi ne, %sign3A_46, %ne3A : vector<3072x16xi32>
    %rem3A = vector.broadcast %jit3A : i32 to vector<3072x16xi32>
    %rem3A_55 = arith.remsi %add3A_34, %rem3A : vector<3072x16xi32>
    %ne3A_56 = arith.constant 0 : i32
    %ne3A_57 = vector.broadcast %ne3A_56 : i32 to vector<3072x16xi32>
    %ne3A_58 = arith.cmpi ne, %rem3A_55, %ne3A_57 : vector<3072x16xi32>
    %and3A = arith.andi %ne3A_54, %ne3A_58 : vector<3072x16xi1>
    %sub3A_59 = arith.constant 1 : i32
    %sub3A_60 = vector.broadcast %sub3A_59 : i32 to vector<3072x16xi32>
    %sub3A_61 = arith.subi %div3A_38, %sub3A_60 : vector<3072x16xi32>
    %select_n3A = arith.select %and3A, %sub3A_61, %div3A_38 : vector<3072x16xi1>, vector<3072x16xi32>
    %sub3A_62 = arith.constant 320000 : i32
    %sub3A_63 = vector.broadcast %sub3A_62 : i32 to vector<3072x16xi32>
    %sub3A_64 = arith.subi %add3A_34, %sub3A_63 : vector<3072x16xi32>
    %jit3A_65 = arith.constant 1000 : i32
    %div3A_66 = vector.broadcast %jit3A_65 : i32 to vector<3072x16xi32>
    %div3A_67 = arith.divsi %sub3A_64, %div3A_66 : vector<3072x16xi32>
    %sign3A_68 = arith.constant 0 : i32
    %sign3A_69 = vector.broadcast %sign3A_68 : i32 to vector<3072x16xi32>
    %sign3A_70 = arith.cmpi sgt, %sub3A_64, %sign3A_69 : vector<3072x16xi32>
    %sign3A_71 = arith.extui %sign3A_70 : vector<3072x16xi1> to vector<3072x16xi32>
    %sign3A_72 = arith.constant 0 : i32
    %sign3A_73 = vector.broadcast %sign3A_72 : i32 to vector<3072x16xi32>
    %sign3A_74 = arith.cmpi slt, %sub3A_64, %sign3A_73 : vector<3072x16xi32>
    %sign3A_75 = arith.extui %sign3A_74 : vector<3072x16xi1> to vector<3072x16xi32>
    %sign3A_76 = arith.subi %sign3A_71, %sign3A_75 : vector<3072x16xi32>
    %sign3A_77 = arith.constant 0 : i32
    %sign3A_78 = arith.cmpi sgt, %jit3A_65, %sign3A_77 : i32
    %sign3A_79 = arith.extui %sign3A_78 : i1 to i32
    %sign3A_80 = arith.constant 0 : i32
    %sign3A_81 = arith.cmpi slt, %jit3A_65, %sign3A_80 : i32
    %sign3A_82 = arith.extui %sign3A_81 : i1 to i32
    %sign3A_83 = arith.subi %sign3A_79, %sign3A_82 : i32
    %ne3A_84 = vector.broadcast %sign3A_83 : i32 to vector<3072x16xi32>
    %ne3A_85 = arith.cmpi ne, %sign3A_76, %ne3A_84 : vector<3072x16xi32>
    %rem3A_86 = vector.broadcast %jit3A_65 : i32 to vector<3072x16xi32>
    %rem3A_87 = arith.remsi %sub3A_64, %rem3A_86 : vector<3072x16xi32>
    %ne3A_88 = arith.constant 0 : i32
    %ne3A_89 = vector.broadcast %ne3A_88 : i32 to vector<3072x16xi32>
    %ne3A_90 = arith.cmpi ne, %rem3A_87, %ne3A_89 : vector<3072x16xi32>
    %and3A_91 = arith.andi %ne3A_85, %ne3A_90 : vector<3072x16xi1>
    %sub3A_92 = arith.constant 1 : i32
    %sub3A_93 = vector.broadcast %sub3A_92 : i32 to vector<3072x16xi32>
    %sub3A_94 = arith.subi %div3A_67, %sub3A_93 : vector<3072x16xi32>
    %select_n3A_95 = arith.select %and3A_91, %sub3A_94, %div3A_67 : vector<3072x16xi1>, vector<3072x16xi32>
    %select_n3A_96 = arith.select %lt3A_36, %select_n3A, %select_n3A_95 : vector<3072x16xi1>, vector<3072x16xi32>
    %lt3A_97 = arith.constant 330000 : i32
    %lt3A_98 = vector.broadcast %lt3A_97 : i32 to vector<3072x16xi32>
    %lt3A_99 = arith.cmpi slt, %add3A_34, %lt3A_98 : vector<3072x16xi32>
    %jit3A_100 = arith.constant -1 : i32
    %broadcast_in_dim3A_101 = vector.broadcast %jit3A_100 : i32 to vector<3072x16xi32>
    %select_n3A_102 = arith.select %lt3A_99, %select_n3A_96, %broadcast_in_dim3A_101 : vector<3072x16xi1>, vector<3072x16xi32>
    %iota3A_103 = tpu.iota {dimensions = array<i32: 1>} : vector<3072x16xi32>
    %eq3A = arith.cmpi eq, %select_n3A_102, %iota3A_103 : vector<3072x16xi32>
    %convert_element_type3A = arith.extui %eq3A : vector<3072x16xi1> to vector<3072x16xi32>
    %convert_element_type3A_104 = arith.sitofp %convert_element_type3A : vector<3072x16xi32> to vector<3072x16xf32>
    %dot_general3A = arith.constant dense<0.000000e+00> : vector<3072x32xf32>
    %dot_general3A_105 = tpu.matmul %convert_element_type3A_104, %add3A_30, %dot_general3A {dimension_numbers = #tpu.dot_dimension_numbers<[1], [0], [0], [1], [0, 0, 1, 1], [], []>, transpose_lhs_hint = false} : vector<3072x16xf32>, vector<16x32xf32>, vector<3072x32xf32> -> vector<3072x32xf32>
    %get3A_106 = arith.constant 0 : index
    %get3A_107 = arith.constant 0 : index
    %get3A_108 = vector.load %arg1[%get3A_106, %get3A_107] : memref<3072x128xf32, #tpu.memory_space<vmem>>, vector<3072x48xf32>
    %convert_element_type3A_109 = arith.truncf %get3A_108 : vector<3072x48xf32> to vector<3072x48xbf16>
    %get3A_110 = arith.constant 0 : index
    %get3A_111 = arith.constant 0 : index
    %get3A_112 = vector.load %arg2[%get3A_110, %get3A_111] : memref<3072x128xf32, #tpu.memory_space<vmem>>, vector<3072x48xf32>
    %convert_element_type3A_113 = arith.truncf %get3A_112 : vector<3072x48xf32> to vector<3072x48xbf16>
    %get3A_114 = arith.constant 0 : index
    %get3A_115 = arith.constant 0 : index
    %get3A_116 = vector.load %arg4[%get3A_114, %get3A_115] : memref<48x32xf32, #tpu.memory_space<vmem>>, vector<48x32xf32>
    %convert_element_type3A_117 = arith.truncf %get3A_116 : vector<48x32xf32> to vector<48x32xbf16>
    %get3A_118 = arith.constant 0 : index
    %get3A_119 = arith.constant 0 : index
    %get3A_120 = vector.load %arg5[%get3A_118, %get3A_119] : memref<1x32xf32, #tpu.memory_space<vmem>>, vector<1x32xf32>
    %get3A_121 = arith.constant 0 : index
    %get3A_122 = arith.constant 0 : index
    %get3A_123 = vector.load %arg6[%get3A_121, %get3A_122] : memref<1x32xf32, #tpu.memory_space<vmem>>, vector<1x32xf32>
    %get3A_124 = arith.constant 0 : index
    %get3A_125 = arith.constant 0 : index
    %get3A_126 = vector.load %arg7[%get3A_124, %get3A_125] : memref<1x32xf32, #tpu.memory_space<vmem>>, vector<1x32xf32>
    %dot_general3A_127 = arith.constant dense<0.000000e+00> : vector<3072x32xf32>
    %dot_general3A_128 = tpu.matmul %convert_element_type3A_109, %convert_element_type3A_117, %dot_general3A_127 {dimension_numbers = #tpu.dot_dimension_numbers<[1], [0], [0], [1], [0, 0, 1, 1], [], []>, transpose_lhs_hint = false} : vector<3072x48xbf16>, vector<48x32xbf16>, vector<3072x32xf32> -> vector<3072x32xf32>
    %add3A_129 = vector.broadcast %get3A_120 : vector<1x32xf32> to vector<3072x32xf32>
    %add3A_130 = arith.addf %dot_general3A_128, %add3A_129 : vector<3072x32xf32>
    %max3A = arith.constant 0.000000e+00 : f32
    %max3A_131 = vector.broadcast %max3A : f32 to vector<3072x32xf32>
    %max3A_132 = arith.maximumf %add3A_130, %max3A_131 : vector<3072x32xf32>
    %dot_general3A_133 = arith.constant dense<0.000000e+00> : vector<3072x32xf32>
    %dot_general3A_134 = tpu.matmul %convert_element_type3A_113, %convert_element_type3A_117, %dot_general3A_133 {dimension_numbers = #tpu.dot_dimension_numbers<[1], [0], [0], [1], [0, 0, 1, 1], [], []>, transpose_lhs_hint = false} : vector<3072x48xbf16>, vector<48x32xbf16>, vector<3072x32xf32> -> vector<3072x32xf32>
    %add3A_135 = vector.broadcast %get3A_120 : vector<1x32xf32> to vector<3072x32xf32>
    %add3A_136 = arith.addf %dot_general3A_134, %add3A_135 : vector<3072x32xf32>
    %max3A_137 = arith.constant 0.000000e+00 : f32
    %max3A_138 = vector.broadcast %max3A_137 : f32 to vector<3072x32xf32>
    %max3A_139 = arith.maximumf %add3A_136, %max3A_138 : vector<3072x32xf32>
    %add3A_140 = arith.addf %max3A_132, %max3A_139 : vector<3072x32xf32>
    %mul3A_141 = arith.constant 5.000000e-01 : f32
    %mul3A_142 = vector.broadcast %mul3A_141 : f32 to vector<3072x32xf32>
    %mul3A_143 = arith.mulf %add3A_140, %mul3A_142 : vector<3072x32xf32>
    %reduce_sum3A_144 = arith.constant dense<0.000000e+00> : vector<3072xf32>
    %reduce_sum3A_145 = vector.multi_reduction <add>, %mul3A_143, %reduce_sum3A_144 [1] : vector<3072x32xf32> to vector<3072xf32>
    %broadcast_in_dim3A_146 = vector.shape_cast %reduce_sum3A_145 : vector<3072xf32> to vector<3072x1xf32>
    %div3A_147 = arith.constant 3.200000e+01 : f32
    %div3A_148 = vector.broadcast %div3A_147 : f32 to vector<3072x1xf32>
    %div3A_149 = arith.divf %broadcast_in_dim3A_146, %div3A_148 : vector<3072x1xf32>
    %mul3A_150 = arith.mulf %mul3A_143, %mul3A_143 : vector<3072x32xf32>
    %reduce_sum3A_151 = arith.constant dense<0.000000e+00> : vector<3072xf32>
    %reduce_sum3A_152 = vector.multi_reduction <add>, %mul3A_150, %reduce_sum3A_151 [1] : vector<3072x32xf32> to vector<3072xf32>
    %broadcast_in_dim3A_153 = vector.shape_cast %reduce_sum3A_152 : vector<3072xf32> to vector<3072x1xf32>
    %div3A_154 = arith.constant 3.200000e+01 : f32
    %div3A_155 = vector.broadcast %div3A_154 : f32 to vector<3072x1xf32>
    %div3A_156 = arith.divf %broadcast_in_dim3A_153, %div3A_155 : vector<3072x1xf32>
    %mul3A_157 = arith.mulf %div3A_149, %div3A_149 : vector<3072x1xf32>
    %sub3A_158 = arith.subf %div3A_156, %mul3A_157 : vector<3072x1xf32>
    %sub3A_159 = vector.broadcast %div3A_149 : vector<3072x1xf32> to vector<3072x32xf32>
    %sub3A_160 = arith.subf %mul3A_143, %sub3A_159 : vector<3072x32xf32>
    %add3A_161 = arith.constant 9.99999974E-6 : f32
    %add3A_162 = vector.broadcast %add3A_161 : f32 to vector<3072x1xf32>
    %add3A_163 = arith.addf %sub3A_158, %add3A_162 : vector<3072x1xf32>
    %rsqrt3A_164 = math.rsqrt %add3A_163 : vector<3072x1xf32>
    %mul3A_165 = vector.broadcast %rsqrt3A_164 : vector<3072x1xf32> to vector<3072x32xf32>
    %mul3A_166 = arith.mulf %sub3A_160, %mul3A_165 : vector<3072x32xf32>
    %mul3A_167 = vector.broadcast %get3A_123 : vector<1x32xf32> to vector<3072x32xf32>
    %mul3A_168 = arith.mulf %mul3A_166, %mul3A_167 : vector<3072x32xf32>
    %add3A_169 = vector.broadcast %get3A_126 : vector<1x32xf32> to vector<3072x32xf32>
    %add3A_170 = arith.addf %mul3A_168, %add3A_169 : vector<3072x32xf32>
    %get3A_171 = arith.constant 0 : index
    %get3A_172 = arith.constant 0 : index
    %get3A_173 = vector.load %arg10[%get3A_171, %get3A_172] : memref<48x128xf32, #tpu.memory_space<vmem>>, vector<48x128xf32>
    %convert_element_type3A_174 = arith.truncf %get3A_173 : vector<48x128xf32> to vector<48x128xbf16>
    %dot_general3A_175 = arith.constant dense<0.000000e+00> : vector<3072x128xf32>
    %dot_general3A_176 = tpu.matmul %convert_element_type3A_109, %convert_element_type3A_174, %dot_general3A_175 {dimension_numbers = #tpu.dot_dimension_numbers<[1], [0], [0], [1], [0, 0, 1, 1], [], []>, transpose_lhs_hint = false} : vector<3072x48xbf16>, vector<48x128xbf16>, vector<3072x128xf32> -> vector<3072x128xf32>
    %get3A_177 = arith.constant 0 : index
    %get3A_178 = arith.constant 0 : index
    %get3A_179 = vector.load %arg11[%get3A_177, %get3A_178] : memref<48x128xf32, #tpu.memory_space<vmem>>, vector<48x128xf32>
    %convert_element_type3A_180 = arith.truncf %get3A_179 : vector<48x128xf32> to vector<48x128xbf16>
    %dot_general3A_181 = arith.constant dense<0.000000e+00> : vector<3072x128xf32>
    %dot_general3A_182 = tpu.matmul %convert_element_type3A_113, %convert_element_type3A_180, %dot_general3A_181 {dimension_numbers = #tpu.dot_dimension_numbers<[1], [0], [0], [1], [0, 0, 1, 1], [], []>, transpose_lhs_hint = false} : vector<3072x48xbf16>, vector<48x128xbf16>, vector<3072x128xf32> -> vector<3072x128xf32>
    %add3A_183 = arith.addf %dot_general3A_176, %dot_general3A_182 : vector<3072x128xf32>
    %convert_element_type3A_184 = arith.truncf %add3A_170 : vector<3072x32xf32> to vector<3072x32xbf16>
    %get3A_185 = arith.constant 0 : index
    %get3A_186 = arith.constant 0 : index
    %get3A_187 = vector.load %arg12[%get3A_185, %get3A_186] : memref<32x128xf32, #tpu.memory_space<vmem>>, vector<32x128xf32>
    %convert_element_type3A_188 = arith.truncf %get3A_187 : vector<32x128xf32> to vector<32x128xbf16>
    %dot_general3A_189 = arith.constant dense<0.000000e+00> : vector<3072x128xf32>
    %dot_general3A_190 = tpu.matmul %convert_element_type3A_184, %convert_element_type3A_188, %dot_general3A_189 {dimension_numbers = #tpu.dot_dimension_numbers<[1], [0], [0], [1], [0, 0, 1, 1], [], []>, transpose_lhs_hint = false} : vector<3072x32xbf16>, vector<32x128xbf16>, vector<3072x128xf32> -> vector<3072x128xf32>
    %add3A_191 = arith.addf %add3A_183, %dot_general3A_190 : vector<3072x128xf32>
    %convert_element_type3A_192 = arith.truncf %dot_general3A_105 : vector<3072x32xf32> to vector<3072x32xbf16>
    %get3A_193 = arith.constant 0 : index
    %get3A_194 = arith.constant 0 : index
    %get3A_195 = vector.load %arg13[%get3A_193, %get3A_194] : memref<32x128xf32, #tpu.memory_space<vmem>>, vector<32x128xf32>
    %convert_element_type3A_196 = arith.truncf %get3A_195 : vector<32x128xf32> to vector<32x128xbf16>
    %dot_general3A_197 = arith.constant dense<0.000000e+00> : vector<3072x128xf32>
    %dot_general3A_198 = tpu.matmul %convert_element_type3A_192, %convert_element_type3A_196, %dot_general3A_197 {dimension_numbers = #tpu.dot_dimension_numbers<[1], [0], [0], [1], [0, 0, 1, 1], [], []>, transpose_lhs_hint = false} : vector<3072x32xbf16>, vector<32x128xbf16>, vector<3072x128xf32> -> vector<3072x128xf32>
    %add3A_199 = arith.addf %add3A_191, %dot_general3A_198 : vector<3072x128xf32>
    %get3A_200 = arith.constant 0 : index
    %get3A_201 = arith.constant 0 : index
    %get3A_202 = vector.load %arg14[%get3A_200, %get3A_201] : memref<1x128xf32, #tpu.memory_space<vmem>>, vector<1x128xf32>
    %add3A_203 = vector.broadcast %get3A_202 : vector<1x128xf32> to vector<3072x128xf32>
    %add3A_204 = arith.addf %add3A_199, %add3A_203 : vector<3072x128xf32>
    %max3A_205 = arith.constant 0.000000e+00 : f32
    %max3A_206 = vector.broadcast %max3A_205 : f32 to vector<3072x128xf32>
    %max3A_207 = arith.maximumf %add3A_204, %max3A_206 : vector<3072x128xf32>
    %convert_element_type3A_208 = arith.truncf %max3A_207 : vector<3072x128xf32> to vector<3072x128xbf16>
    %get3A_209 = arith.constant 0 : index
    %get3A_210 = arith.constant 0 : index
    %get3A_211 = vector.load %arg15[%get3A_209, %get3A_210] : memref<128x32xf32, #tpu.memory_space<vmem>>, vector<128x32xf32>
    %convert_element_type3A_212 = arith.truncf %get3A_211 : vector<128x32xf32> to vector<128x32xbf16>
    %dot_general3A_213 = arith.constant dense<0.000000e+00> : vector<3072x32xf32>
    %dot_general3A_214 = tpu.matmul %convert_element_type3A_208, %convert_element_type3A_212, %dot_general3A_213 {dimension_numbers = #tpu.dot_dimension_numbers<[1], [0], [0], [1], [0, 0, 1, 1], [], []>, transpose_lhs_hint = false} : vector<3072x128xbf16>, vector<128x32xbf16>, vector<3072x32xf32> -> vector<3072x32xf32>
    %get3A_215 = arith.constant 0 : index
    %get3A_216 = arith.constant 0 : index
    %get3A_217 = vector.load %arg16[%get3A_215, %get3A_216] : memref<1x32xf32, #tpu.memory_space<vmem>>, vector<1x32xf32>
    %add3A_218 = vector.broadcast %get3A_217 : vector<1x32xf32> to vector<3072x32xf32>
    %add3A_219 = arith.addf %dot_general3A_214, %add3A_218 : vector<3072x32xf32>
    %add3A_220 = arith.addf %add3A_219, %add3A_170 : vector<3072x32xf32>
    %get3A_221 = arith.constant 0 : index
    %get3A_222 = arith.constant 0 : index
    %get3A_223 = vector.load %arg17[%get3A_221, %get3A_222] : memref<1x32xf32, #tpu.memory_space<vmem>>, vector<1x32xf32>
    %get3A_224 = arith.constant 0 : index
    %get3A_225 = arith.constant 0 : index
    %get3A_226 = vector.load %arg18[%get3A_224, %get3A_225] : memref<1x32xf32, #tpu.memory_space<vmem>>, vector<1x32xf32>
    %reduce_sum3A_227 = arith.constant dense<0.000000e+00> : vector<3072xf32>
    %reduce_sum3A_228 = vector.multi_reduction <add>, %add3A_220, %reduce_sum3A_227 [1] : vector<3072x32xf32> to vector<3072xf32>
    %broadcast_in_dim3A_229 = vector.shape_cast %reduce_sum3A_228 : vector<3072xf32> to vector<3072x1xf32>
    %div3A_230 = arith.constant 3.200000e+01 : f32
    %div3A_231 = vector.broadcast %div3A_230 : f32 to vector<3072x1xf32>
    %div3A_232 = arith.divf %broadcast_in_dim3A_229, %div3A_231 : vector<3072x1xf32>
    %mul3A_233 = arith.mulf %add3A_220, %add3A_220 : vector<3072x32xf32>
    %reduce_sum3A_234 = arith.constant dense<0.000000e+00> : vector<3072xf32>
    %reduce_sum3A_235 = vector.multi_reduction <add>, %mul3A_233, %reduce_sum3A_234 [1] : vector<3072x32xf32> to vector<3072xf32>
    %broadcast_in_dim3A_236 = vector.shape_cast %reduce_sum3A_235 : vector<3072xf32> to vector<3072x1xf32>
    %div3A_237 = arith.constant 3.200000e+01 : f32
    %div3A_238 = vector.broadcast %div3A_237 : f32 to vector<3072x1xf32>
    %div3A_239 = arith.divf %broadcast_in_dim3A_236, %div3A_238 : vector<3072x1xf32>
    %mul3A_240 = arith.mulf %div3A_232, %div3A_232 : vector<3072x1xf32>
    %sub3A_241 = arith.subf %div3A_239, %mul3A_240 : vector<3072x1xf32>
    %sub3A_242 = vector.broadcast %div3A_232 : vector<3072x1xf32> to vector<3072x32xf32>
    %sub3A_243 = arith.subf %add3A_220, %sub3A_242 : vector<3072x32xf32>
    %add3A_244 = arith.constant 9.99999974E-6 : f32
    %add3A_245 = vector.broadcast %add3A_244 : f32 to vector<3072x1xf32>
    %add3A_246 = arith.addf %sub3A_241, %add3A_245 : vector<3072x1xf32>
    %rsqrt3A_247 = math.rsqrt %add3A_246 : vector<3072x1xf32>
    %mul3A_248 = vector.broadcast %rsqrt3A_247 : vector<3072x1xf32> to vector<3072x32xf32>
    %mul3A_249 = arith.mulf %sub3A_243, %mul3A_248 : vector<3072x32xf32>
    %mul3A_250 = vector.broadcast %get3A_223 : vector<1x32xf32> to vector<3072x32xf32>
    %mul3A_251 = arith.mulf %mul3A_249, %mul3A_250 : vector<3072x32xf32>
    %add3A_252 = vector.broadcast %get3A_226 : vector<1x32xf32> to vector<3072x32xf32>
    %add3A_253 = arith.addf %mul3A_251, %add3A_252 : vector<3072x32xf32>
    %transpose3A = tpu.transpose %add3A_253, [1, 0] : vector<3072x32xf32> -> vector<32x3072xf32>
    %swap3A = arith.constant 0 : index
    %swap3A_254 = arith.constant 0 : index
    %swap3A_255 = vector.load %arg19[%swap3A, %swap3A_254] : memref<32x3072xf32, #tpu.memory_space<vmem>>, vector<32x3072xf32>
    tpu.vector_store %arg19[%swap3A, %swap3A_254], %transpose3A {strides = array<i32>} : memref<32x3072xf32, #tpu.memory_space<vmem>>, vector<32x3072xf32>,
    return
  }
  func.func @transform_0(%arg0: i32) -> (i32, i32) {
    %c0_i32 = arith.constant 0 : i32
    %c0_i32_0 = arith.constant 0 : i32
    return %arg0, %c0_i32 : i32, i32
  }
  func.func @transform_1(%arg0: i32) -> (i32, i32) {
    %c0_i32 = arith.constant 0 : i32
    %c0_i32_0 = arith.constant 0 : i32
    return %arg0, %c0_i32 : i32, i32
  }
  func.func @transform_2(%arg0: i32) -> (i32, i32) {
    %c0_i32 = arith.constant 0 : i32
    %c0_i32_0 = arith.constant 0 : i32
    %c0_i32_1 = arith.constant 0 : i32
    return %c0_i32, %c0_i32_0 : i32, i32
  }
  func.func @transform_3(%arg0: i32) -> (i32, i32) {
    %c0_i32 = arith.constant 0 : i32
    %c0_i32_0 = arith.constant 0 : i32
    %c0_i32_1 = arith.constant 0 : i32
    return %c0_i32, %c0_i32_0 : i32, i32
  }
  func.func @transform_4(%arg0: i32) -> (i32, i32) {
    %c0_i32 = arith.constant 0 : i32
    %c0_i32_0 = arith.constant 0 : i32
    %c0_i32_1 = arith.constant 0 : i32
    return %c0_i32, %c0_i32_0 : i32, i32
  }
  func.func @transform_5(%arg0: i32) -> (i32, i32) {
    %c0_i32 = arith.constant 0 : i32
    %c0_i32_0 = arith.constant 0 : i32
    %c0_i32_1 = arith.constant 0 : i32
    return %c0_i32, %c0_i32_0 : i32, i32
  }
  func.func @transform_6(%arg0: i32) -> (i32, i32) {
    %c0_i32 = arith.constant 0 : i32
    %c0_i32_0 = arith.constant 0 : i32
    %c0_i32_1 = arith.constant 0 : i32
    return %c0_i32, %c0_i32_0 : i32, i32
  }
  func.func @transform_7(%arg0: i32) -> (i32, i32) {
    %c0_i32 = arith.constant 0 : i32
    %c0_i32_0 = arith.constant 0 : i32
    %c0_i32_1 = arith.constant 0 : i32
    return %c0_i32, %c0_i32_0 : i32, i32
  }
  func.func @transform_8(%arg0: i32) -> (i32, i32) {
    %c0_i32 = arith.constant 0 : i32
    %c0_i32_0 = arith.constant 0 : i32
    %c0_i32_1 = arith.constant 0 : i32
    return %c0_i32, %c0_i32_0 : i32, i32
  }
  func.func @transform_9(%arg0: i32) -> (i32, i32) {
    %c0_i32 = arith.constant 0 : i32
    %c0_i32_0 = arith.constant 0 : i32
    %c0_i32_1 = arith.constant 0 : i32
    return %c0_i32, %c0_i32_0 : i32, i32
  }
  func.func @transform_10(%arg0: i32) -> (i32, i32) {
    %c0_i32 = arith.constant 0 : i32
    %c0_i32_0 = arith.constant 0 : i32
    %c0_i32_1 = arith.constant 0 : i32
    return %c0_i32, %c0_i32_0 : i32, i32
  }
  func.func @transform_11(%arg0: i32) -> (i32, i32) {
    %c0_i32 = arith.constant 0 : i32
    %c0_i32_0 = arith.constant 0 : i32
    %c0_i32_1 = arith.constant 0 : i32
    return %c0_i32, %c0_i32_0 : i32, i32
  }
  func.func @transform_12(%arg0: i32) -> (i32, i32) {
    %c0_i32 = arith.constant 0 : i32
    %c0_i32_0 = arith.constant 0 : i32
    %c0_i32_1 = arith.constant 0 : i32
    return %c0_i32, %c0_i32_0 : i32, i32
  }
  func.func @transform_13(%arg0: i32) -> (i32, i32) {
    %c0_i32 = arith.constant 0 : i32
    %c0_i32_0 = arith.constant 0 : i32
    %c0_i32_1 = arith.constant 0 : i32
    return %c0_i32, %c0_i32_0 : i32, i32
  }
  func.func @transform_14(%arg0: i32) -> (i32, i32) {
    %c0_i32 = arith.constant 0 : i32
    %c0_i32_0 = arith.constant 0 : i32
    %c0_i32_1 = arith.constant 0 : i32
    return %c0_i32, %c0_i32_0 : i32, i32
  }
  func.func @transform_15(%arg0: i32) -> (i32, i32) {
    %c0_i32 = arith.constant 0 : i32
    %c0_i32_0 = arith.constant 0 : i32
    %c0_i32_1 = arith.constant 0 : i32
    return %c0_i32, %c0_i32_0 : i32, i32
  }
  func.func @transform_16(%arg0: i32) -> (i32, i32) {
    %c0_i32 = arith.constant 0 : i32
    %c0_i32_0 = arith.constant 0 : i32
    %c0_i32_1 = arith.constant 0 : i32
    return %c0_i32, %c0_i32_0 : i32, i32
  }
  func.func @transform_17(%arg0: i32) -> (i32, i32) {
    %c0_i32 = arith.constant 0 : i32
    %c0_i32_0 = arith.constant 0 : i32
    %c0_i32_1 = arith.constant 0 : i32
    return %c0_i32, %c0_i32_0 : i32, i32
  }
  func.func @transform_18(%arg0: i32) -> (i32, i32) {
    %c0_i32 = arith.constant 0 : i32
    %c0_i32_0 = arith.constant 0 : i32
    return %c0_i32, %arg0 : i32, i32
  }
}

</mosaic_0001>

<sc_bundles>
// kernel: kernel.6.cloned.1.call-start
scs
__scs_entry_jumppad:
0x0: {  	(pc) =	sbr.rel $0x88, $3  }
0x1: {  	(tag) =	ssettag $0x0;
	lr =	simm.s32 $0x1  }
0x2: {  	[smem:$0x3F83] =	sst lr;
	_ =	strace $0xD0000000  }
0x3: {  	_ = 	snop  }
0x4: {  	_ = 	snop  }
0x5: {  	_ = 	snop  }
0x6: {  	_ = 	snop  }
0x7: {  	_ = 	snop  }
__scs_overlays_trampoline_lowered:
0x8: {  	[smem:$0x3F92] =	sst s0  }
0x9: {  	[smem:$0x3F93] =	sst s1  }
0xa: {  	[smem:$0x3F94] =	sst s2  }
0xb: {  	[smem:$0x3F95] =	sst s3  }
0xc: {  	[smem:$0x3F96] =	sst s4  }
0xd: {  	[smem:$0x3F97] =	sst s5  }
0xe: {  	[smem:$0x3F98] =	sst s6  }
0xf: {  	[smem:$0x3F99] =	sst s7  }
0x10: {  	[smem:$0x3F9A] =	sst s8  }
0x11: {  	[smem:$0x3F9B] =	sst s9;
	s0 =	simm.s32 @!p0 $0x0  }
0x12: {  	s1 =	sld [smem:$0x3F81];
	s0 =	simm.s32 @p0 $0x1  }
0x13: {  	[smem:$0x3F9C] =	sst s0;
	s0 =	simm.s32 @!p1 $0x0  }
0x14: {  	s2 =	sld [smem:$0x3F80];
	s0 =	simm.s32 @p1 $0x1  }
0x15: {  	[smem:$0x3F9D] =	sst s0;
	s0 =	simm.s32 @!p2 $0x0  }
0x16: {  	s3 =	sld [smem:$0x3FDB];
	s0 =	simm.s32 @p2 $0x1  }
0x17: {  	s4 =	simm.s32 $0x1BF5;
	[smem:$0x3F9F] =	sst s0  }
0x18: {  	s0 =	sld [smem:$0x3F82];
	_ =	swait.ge [sflag:s4], $0x0  }
0x19: {  	s7 =	sld [smem:$0x3F83]  }
0x1a: {  	s8 =	sadd.s32 $0xFFFFE003, lr  }
0x1b: {  	s9 =	sadd.s32 $0xFFFFFEF7, lr;
	s5 =	simm.s32 $0xFFFFFFFF;
	p2 =	slt.u32 s8, $0xFFFFF086  }
0x1c: {  	p1 =	slt.u32 s9, $0xF7A;
	s5 =	simm.s32 @!p2 $0x0  }
0x1d: {  	s5 =	simm.s32 @p1 $0x1;
	p0 =	seq.s32 s7, s2  }
0x1e: {  	s7 =	smul.u32 @!p0 $0xF7A, s2;
	p2 =	seq.s32 @!p0 s5, $0x0  }
0x1f: {  	s9 =	smul.u32 $0xF7A, s1;
	s8 =	simm.s32 @!p0 $0x1BF5;
	p2 =	por !p2, p0  }
0x20: {  	[sflag:s8] =	ssyncset.s32 @!p0 $0xFFFFF086;
	s6 =	sadd.s32 @!p0 s3, s7;
	s7 =	simm.s32 @!p0 $0x108  }
0x21: {  	s3 =	sadd.s32 s3, s9;
	s6 =	sadd.s32 @!p0 $0x88, s6;
	s7 =	simm.s32 @p2 $0x1082  }
0x22: {  	[simem:s7], [sflag:s8] =	dma.local @!p0 [hbm:s6], $0xF7A  }
0x23: {  	s9 =	sor.u32 $0xD0000000, s2;
	s6 =	simm.s32 $0x108;
	_ =	swait.ge @!p0 [sflag:s8], $0x0  }
0x24: {  	s3 =	sadd.s32 $0x88, s3;
	s6 =	simm.s32 @!p1 $0x1082;
	[sflag:s4] =	ssyncset.s32 $0xFFFFF086  }
0x25: {  	[simem:s6], [sflag:s4] =	dma.local [hbm:s3], $0xF7A  }
0x26: {  	[smem:$0x3F83] =	sst s1;
	(tag) =	ssettag s2;
	_ =	strace s9  }
0x27: {  	s1 =	sld [smem:$0x3F93]  }
0x28: {  	s2 =	sld [smem:$0x3F94]  }
0x29: {  	s4 =	sld [smem:$0x3F96]  }
0x2a: {  	p0 =	seq.s32 s5, $0x0;
	s5 =	sld [smem:$0x3F97]  }
0x2b: {  	s6 =	sld [smem:$0x3F98]  }
0x2c: {  	s7 =	sld [smem:$0x3F99]  }
0x2d: {  	s3 =	simm.s32 $0x108;
	s8 =	sld [smem:$0x3F9A]  }
0x2e: {  	s3 =	simm.s32 @!p0 $0x1082;
	s9 =	sld [smem:$0x3F9B]  }
0x2f: {  	lr =	sadd.s32 s0, s3;
	s0 =	sld [smem:$0x3F92]  }
0x30: {  	s3 =	sld [smem:$0x3F95]  }
0x31: {  	[smem:$0x3F9E] =	sst s10  }
0x32: {  	s10 =	sld [smem:$0x3F9C];
	_ =	sdelay $0x3  }
0x33: {  	p0 =	seq.s32 s10, $0x1;
	s10 =	sld [smem:$0x3F9E];
	_ =	sdelay $0x3  }
0x34: {  	[smem:$0x3F9E] =	sst s10  }
0x35: {  	s10 =	sld [smem:$0x3F9D];
	_ =	sdelay $0x3  }
0x36: {  	p1 =	seq.s32 s10, $0x1;
	s10 =	sld [smem:$0x3F9E];
	_ =	sdelay $0x3  }
0x37: {  	[smem:$0x3F9E] =	sst s10  }
0x38: {  	s10 =	sld [smem:$0x3F9F]  }
0x39: {  	_ = 	snop;
	(pc) =	sbr.ind lr, $3  }
0x3a: {  	_ = 	snop  }
0x3b: {  	_ = 	snop  }
0x3c: {  	p2 =	seq.s32 s10, $0x1;
	s10 =	sld [smem:$0x3F9E]  }
0x3d: {  	_ =	shalt  }
0x3e: {  	_ =	shalt  }
0x3f: {  	_ =	shalt  }
0x40: {  	_ =	shalt  }
0x41: {  	_ =	shalt  }
0x42: {  	_ =	shalt  }
0x43: {  	_ =	shalt  }
0x44: {  	_ =	shalt  }
0x45: {  	_ =	shalt  }
0x46: {  	_ =	shalt  }
0x47: {  	_ =	shalt  }
0x48: {  	_ =	shalt  }
0x49: {  	_ =	shalt  }
0x4a: {  	_ =	shalt  }
0x4b: {  	_ =	shalt  }
0x4c: {  	_ =	shalt  }
0x4d: {  	_ =	shalt  }
0x4e: {  	_ =	shalt  }
0x4f: {  	_ =	shalt  }
0x50: {  	_ =	shalt  }
0x51: {  	_ =	shalt  }
0x52: {  	_ =	shalt  }
0x53: {  	_ =	shalt  }
0x54: {  	_ =	shalt  }
0x55: {  	_ =	shalt  }
0x56: {  	_ =	shalt  }
0x57: {  	_ =	shalt  }
0x58: {  	_ =	shalt  }
0x59: {  	_ =	shalt  }
0x5a: {  	_ =	shalt  }
0x5b: {  	_ =	shalt  }
0x5c: {  	_ =	shalt  }
0x5d: {  	_ =	shalt  }
0x5e: {  	_ =	shalt  }
0x5f: {  	_ =	shalt  }
0x60: {  	_ =	shalt  }
0x61: {  	_ =	shalt  }
0x62: {  	_ =	shalt  }
0x63: {  	_ =	shalt  }
0x64: {  	_ =	shalt  }
0x65: {  	_ =	shalt  }
0x66: {  	_ =	shalt  }
0x67: {  	_ =	shalt  }
0x68: {  	_ =	shalt  }
0x69: {  	_ =	shalt  }
0x6a: {  	_ =	shalt  }
0x6b: {  	_ =	shalt  }
0x6c: {  	_ =	shalt  }
0x6d: {  	_ =	shalt  }
0x6e: {  	_ =	shalt  }
0x6f: {  	_ =	shalt  }
0x70: {  	_ =	shalt  }
0x71: {  	_ =	shalt  }
0x72: {  	_ =	shalt  }
0x73: {  	_ =	shalt  }
0x74: {  	_ =	shalt  }
0x75: {  	_ =	shalt  }
0x76: {  	_ =	shalt  }
0x77: {  	_ =	shalt  }
0x78: {  	_ =	shalt  }
0x79: {  	_ =	shalt  }
0x7a: {  	_ =	shalt  }
0x7b: {  	_ =	shalt  }
0x7c: {  	_ =	shalt  }
0x7d: {  	_ =	shalt  }
0x7e: {  	_ =	shalt  }
0x7f: {  	_ =	shalt  }
0x80: {  	_ =	shalt  }
0x81: {  	_ =	shalt  }
0x82: {  	_ =	shalt  }
0x83: {  	_ =	shalt  }
0x84: {  	_ =	shalt  }
0x85: {  	_ =	shalt  }
0x86: {  	_ =	shalt  }
0x87: {  	_ =	shalt  }
.Lfunc_end0:
.L_simem_size_0:
called_computation_lowered:
.L_overlay_start_0:
0x88: {  	s2 =	sld [smem:$0x3FD9]  }
0x89: {  	s3 =	sld [smem:$0x3FFE];
	_ =	sdelay $0x1  }
0x8a: {  	s1 =	srdreg.scid  }
0x8b: {  	s0 =	sand.u32 $0x1, s1  }
0x8c: {  	s17 =	sshll.u32 s0, $0xA;
	s2 =	sadd.s32 s3, s2  }
0x8d: {  	s2 =	sadd.s32 s2, s17  }
0x8e: {  	[smem:$0x3FAA] =	sst s2  }
0x8f: {  	_ = 	snop  }
0x90: {  	s2 =	sld [smem:$0x3FD0];
	(tm) =	ssettm $0x1  }
0x91: {  	s18 =	sld [smem:$0x3FFB];
	_ =	sdelay $0x3  }
0x92: {  	_ =	strace s18  }
0x93: {  	s3 =	sld [smem:$0x3FFC];
	_ =	sdelay $0x3  }
0x94: {  	_ =	strace s3  }
0x95: {  	s3 =	sld [smem:$0x3FFD];
	_ =	sdelay $0x3  }
0x96: {  	_ =	strace s3  }
0x97: {  	_ =	strace $0x8FFFFFFF  }
0x98: {  	s19 =	sld [smem:$0x3FDB];
	_ =	sdelay $0x1  }
0x99: {  	s4 =	simm.s32 $_scs_section_size  }
0x9a: {  	s5 =	simm.s32 $_size__tile_overlayer_lowered;
	s6 =	simm.s32 $_tile_overlayer_lowered  }
0x9b: {  	s22 =	simm.s32 $0x1BFF;
	s21 =	sshll.u32 s6, $0x1;
	s3 =	sadd.s32 s4, s19  }
0x9c: {  	s7 =	simm.s32 $0x0;
	s20 =	sshll.u32 s5, $0x1;
	s5 =	sadd.s32 s21, s3  }
0x9d: {  	[timem:s7], [sflag:s22] =	dma.local [hbm:s5], s20  }
0x9e: {  	_ =	swait.ge [sflag:s22], s20  }
0x9f: {  	s4 =	ssub.s32 $0x0, s20;
	[sflag:s22] =	ssyncset.done $0x0  }
0xa0: {  	[sflag:s22] =	ssyncadd.s32 s4;
	_ =	sdelay $0x1  }
0xa1: {  	s23 =	simm.s32 $0x1B8B  }
0xa2: {  	_ =	swait.ge [sflag:s23], $0x1  }
0xa3: {  	[sflag:s23] =	ssyncset.done $0x0  }
0xa4: {  	s25 =	simm.s32 $0x1B8E;
	s24 =	sld [smem:$0x3FFE];
	[sflag:s23] =	ssyncadd.s32 $0xFFFFFFFF  }
0xa5: {  	s26 =	simm.s32 $execute0_lowered;
	[smem:$0x3FD2] =	sst s25  }
0xa6: {  	s5 =	sshll.u32 s26, $0x1;
	_ =	strace $0x80000046;
	[dreg:$0x1] =	wrdreg $0xFFFFFFFF  }
0xa7: {  	s28 =	simm.s32 $_size_execute0_lowered;
	s3 =	sadd.s32 s3, s5;
	[dreg:$0x0] =	wrdreg $0x0  }
0xa8: {  	s5 =	sshll.u32 s28, $0x1;
	[dreg:$0x2] =	wrdreg s3  }
0xa9: {  	[dreg:$0x3] =	wrdreg s5  }
0xaa: {  	[dreg:$0x4] =	wrdreg $0xC0  }
0xab: {  	_ =	task [dreg:s7], $0x5FFFF  }
0xac: {  	[dreg:$0x1] =	wrdreg $0xFFFFFFFF  }
0xad: {  	[dreg:$0x0] =	wrdreg $0x60  }
0xae: {  	[dreg:$0x2] =	wrdreg s2  }
0xaf: {  	[dreg:$0x3] =	wrdreg s24  }
0xb0: {  	[dreg:$0x4] =	wrdreg $0xB8000  }
0xb1: {  	[dreg:$0x5] =	wrdreg $0x9  }
0xb2: {  	_ =	task.clear_ibuf [dreg:s7], $0x6FFFF;
	_ =	strace $0x90000046  }
0xb3: {  	s29 =	simm.s32 $0x9;
	_ =	strace $0x80000048  }
0xb4: {  	_ =	swait.ge [sflag:s29], $0x1  }
0xb5: {  	[sflag:s29] =	ssyncadd.s32 $0xFFFFFFFF  }
0xb6: {  	_ =	strace $0x90000048  }
0xb7: {  	_ =	sfence  }
0xb8: {  	s30 =	sld [smem:$0x0];
	_ =	sdelay $0x2  }
0xb9: {  	s31 =	sshll.u32 s1, $0xD;
	s1 =	sshrl.u32 s1, $0x2  }
0xba: {  	s3 =	sand.u32 $0x4000, s31;
	s1 =	sadd.s32 s1, s30  }
0xbb: {  	s0 =	sor.u32 s3, s0;
	s1 =	sshll.u32 s1, $0x11  }
0xbc: {  	s0 =	sor.u32 s1, s0  }
0xbd: {  	s0 =	sadd.s32 $0x8F2B, s0  }
0xbe: {  	[sflag:s0] =	ssyncadd.remote.s32 $0x1  }
0xbf: {  	_ =	sfence.sel $0xFFFF  }
0xc0: {  	[dreg:$0x0] =	wrdreg $0xFFFFFFFF;
	(pc) =	sbr.abs _section_cstart, $3  }
0xc1: {  	[dreg:$0x1] =	wrdreg $0xFFFFFFFF  }
0xc2: {  	_ =	task.clear_ibuf [dreg:s7], $0x2FFFF;
	_ =	strace $0x9FFFFFFF  }
0xc3: {  	(tm) =	ssettm $0x7FFFFFFF  }
tec
execute0_lowered:
.L_overlay_start_1:
0x0: {  	(tag) =	ssettag $0x1  }
0x1: {  	s0 =	rddreg [dreg:$0x1]  }
0x2: {  	s1 =	srdreg.scid;
	s6 =	stileid.u32  }
0x3: {  	s2 =	rddreg [dreg:$0x2];
	s3 =	simm.s32 $0x0;
	s16 =	simm.s32 $0x5  }
0x4: {  	s17 =	simm.s32 $0x2C00;
	s18 =	simm.s32 $0x80;
	s19 =	simm.s32 $0x5800  }
0x5: {  	s20 =	simm.s32 $0x7000;
	s21 =	simm.s32 $0x8800;
	s22 =	simm.s32 $0xA000  }
0x6: {  	s28 =	simm.s32 $0x4;
	s31 =	simm.s32 $0x0;
	s12 =	smul.u32 $0xB0, s6  }
0x7: {  	s1 =	sand.u32 $0x1, s1;
	s4 =	sshll.u32 s6, $0x1;
	s29 =	smul.u32 $0x58000, s6  }
0x8: {  	[smem:$0x7FF] =	sst s3;
	p0 =	sne.s32 s6, $0x0;
	s13 =	smul.u32 $0x58, s1  }
0x9: {  	s4 =	sor.u32 s1, s4;
	s8 =	ssub.s32 $0x2, s1;
	s1 =	smul.u32 $0x2C000, s1  }
0xa: {  	_ =	strace $0x80000047;
	s15 =	sshrl.u32 @!p0 s2, $0x3;
	s5 =	smul.u32 $0x580, s4  }
0xb: {  	s9 =	smul.u32 $0x160000, s4;
	s4 =	sadd.s32 $0x19C00, s0;
	s23 =	sshrl.u32 s8, $0x1  }
0xc: {  	s13 =	sadd.s32 s13, s12;
	s14 =	sadd.s32 s1, s29;
	s7 =	sadd.s32 s5, s0  }
0xd: {  	s5 =	sadd.s32 $0x599C00, s0;
	s0 =	ssub.s32 s8, s23;
	s9 =	sshrl.u32 s9, $0x3  }
0xe: {  	s30 =	sshll.u32 s13, $0xB;
	s23 =	simm.s32 $0x1;
	s24 =	sadd.s32 $0xEC00, s7  }
0xf: {  	s7 =	sadd.s32 $0x3C00, s7;
	s25 =	sadd.s32 $0x2B000, s9;
	s11 =	sadd.s32 $0x2B800, s9  }
0x10: {  	s12 =	smax.u32 s0, $0x1;
	s13 =	sor.u32 $0x800, s30;
	[dreg:$0x4] =	wrdreg s24  }
0x11: {  	[dreg:$0x5] =	wrdreg s7;
	s26 =	sadd.s32 s4, s25;
	s9 =	sadd.s32 s5, s25  }
0x12: {  	s10 =	sadd.s32 s4, s11;
	s11 =	sadd.s32 s5, s11;
	s24 =	simm.s32 $0x2  }
0x13: {  	s25 =	simm.s32 $0x30;
	[dreg:$0x6] =	wrdreg s26;
	s26 =	simm.s32 $0x3  }
.LBB2_1:
0x14: {  	s0 =	simm.s32 @!p0 $0x1C05;
	s1 =	rddreg [dreg:$0x0]  }
0x15: {  	[spmem:s15], [sflag:s0] =	dma.local @!p0 [hbm:s1], $0xEA60  }
0x16: {  	s0 =	simm.s32 @!p0 $0x5  }
0x17: {  	_ =	swait.ge @!p0 [sflag:s0], $0xEA60  }
0x18: {  	[sflag:s0] =	ssyncset.done @!p0 $0x0  }
0x19: {  	s7 =	rddreg [dreg:$0x4];
	[sflag:s0] =	ssyncadd.s32 @!p0 $0xFFFF15A0  }
0x1a: {  	[tilespmem:s3], [sflag:$0x5] =	stream.linear.gather [hbm4b:s7+s3], $0x2C00, $0x38;
	[tilespmem:$0x12D30] =	vst v63  }
0x1b: {  	_ =	swait.ge [sflag:s16], $0x2C00  }
0x1c: {  	[sflag:s16] =	ssyncset.done $0x0  }
0x1d: {  	s8 =	rddreg [dreg:$0x5];
	[sflag:s16] =	ssyncadd.s32 $0xFFFFD400  }
0x1e: {  	[tilespmem:s17], [sflag:$0x5] =	stream.linear.gather [hbm4b:s8+s3], $0x2C00, $0x38;
	[tilespmem:$0x12D30] =	vst v63  }
0x1f: {  	_ =	swait.ge [sflag:s16], $0x2C00  }
0x20: {  	[sflag:s16] =	ssyncset.done $0x0  }
0x21: {  	[sflag:s16] =	ssyncadd.s32 $0xFFFFD400  }
0x22: {  	[bflag:$0x0] =	sbarrier.arrive $0xFFFF  }
0x23: {  	[tilespmem:s19], [sflag:$0x1] =	stream.indirect.gather [spmem:s2], $0x30, s3, s18, $0xb8;
	[tilespmem:$0x12D30] =	vst v63  }
0x24: {  	_ = 	snop  }
0x25: {  	[tilespmem:s20], [sflag:$0x2] =	stream.indirect.gather [spmem:s2], $0x30, s17, s18, $0xb8;
	[tilespmem:$0x12D30] =	vst v63  }
0x26: {  	s1 =	simm.s32 $0x80  }
0x27: {  	[tilespmem:s21], [sflag:$0x3] =	stream.indirect.gather [spmem:s2], $0x30, s1, s18, $0xb8;
	[tilespmem:$0x12D30] =	vst v63  }
0x28: {  	s6 =	simm.s32 $0x2C80  }
0x29: {  	[tilespmem:s22], [sflag:$0x4] =	stream.indirect.gather [spmem:s2], $0x30, s6, s18, $0xb8;
	[tilespmem:$0x12D30] =	vst v63  }
0x2a: {  	_ =	swait.ge [sflag:s23], $0x1800  }
0x2b: {  	[sflag:s23] =	ssyncset.done $0x0  }
0x2c: {  	[sflag:s23] =	ssyncadd.s32 $0xFFFFE800  }
0x2d: {  	_ =	swait.ge [sflag:s24], $0x1800  }
0x2e: {  	[sflag:s24] =	ssyncset.done $0x0  }
0x2f: {  	s7 =	sadd.s32 s14, s4;
	[sflag:s24] =	ssyncadd.s32 $0xFFFFE800  }
0x30: {  	[hbm4b:s7+s25] =	stream.strided.scatter [tilespmem:s19], [sflag:$0x5], $0x1800, s18, s25, $0x38;
	[tilespmem:$0x12D30] =	vst v63  }
0x31: {  	_ =	swait.ge [sflag:s16], $0x1800  }
0x32: {  	[sflag:s16] =	ssyncset.done $0x0  }
0x33: {  	s8 =	sadd.s32 s14, s5;
	[sflag:s16] =	ssyncadd.s32 $0xFFFFE800  }
0x34: {  	[hbm4b:s8+s25] =	stream.strided.scatter [tilespmem:s20], [sflag:$0x5], $0x1800, s18, s25, $0x38;
	[tilespmem:$0x12D30] =	vst v63  }
0x35: {  	_ =	swait.ge [sflag:s16], $0x1800  }
0x36: {  	[sflag:s16] =	ssyncset.done $0x0  }
0x37: {  	s1 =	simm.s32 $0x100;
	[sflag:s16] =	ssyncadd.s32 $0xFFFFE800  }
0x38: {  	[tilespmem:s19], [sflag:$0x1] =	stream.indirect.gather [spmem:s2], $0x30, s1, s18, $0xb8;
	[tilespmem:$0x12D30] =	vst v63  }
0x39: {  	s6 =	simm.s32 $0x2D00  }
0x3a: {  	[tilespmem:s20], [sflag:$0x2] =	stream.indirect.gather [spmem:s2], $0x30, s6, s18, $0xb8;
	[tilespmem:$0x12D30] =	vst v63  }
0x3b: {  	_ =	swait.ge [sflag:s26], $0x1800  }
0x3c: {  	[sflag:s26] =	ssyncset.done $0x0  }
0x3d: {  	[sflag:s26] =	ssyncadd.s32 $0xFFFFE800  }
0x3e: {  	_ =	swait.ge [sflag:s28], $0x1800  }
0x3f: {  	[sflag:s28] =	ssyncset.done $0x0  }
0x40: {  	s7 =	sadd.s32 s13, s4;
	[sflag:s28] =	ssyncadd.s32 $0xFFFFE800  }
0x41: {  	[hbm4b:s7+s25] =	stream.strided.scatter [tilespmem:s21], [sflag:$0x5], $0x1800, s18, s25, $0x38;
	[tilespmem:$0x12D30] =	vst v63  }
0x42: {  	_ =	swait.ge [sflag:s16], $0x1800  }
0x43: {  	[sflag:s16] =	ssyncset.done $0x0  }
0x44: {  	s8 =	sadd.s32 s13, s5;
	[sflag:s16] =	ssyncadd.s32 $0xFFFFE800  }
0x45: {  	[hbm4b:s8+s25] =	stream.strided.scatter [tilespmem:s22], [sflag:$0x5], $0x1800, s18, s25, $0x38;
	[tilespmem:$0x12D30] =	vst v63  }
0x46: {  	s30 =	simm.s32 $0x800;
	s29 =	simm.s32 $0x100;
	_ =	swait.ge [sflag:s16], $0x1800  }
0x47: {  	s0 =	sadd.s32 $0x1000, s14;
	s1 =	sadd.s32 $0x1000, s13;
	[sflag:s16] =	ssyncset.done $0x0  }
.LBB2_2:
0x48: {  	s8 =	sadd.s32 $0x80, s29  }
0x49: {  	[sflag:s16] =	ssyncadd.s32 $0xFFFFE800;
	s6 =	smov.u32 s30;
	s7 =	sadd.s32 $0x400, s30  }
0x4a: {  	[tilespmem:s21], [sflag:$0x3] =	stream.indirect.gather [spmem:s2], $0x30, s8, s18, $0xb8;
	[tilespmem:$0x12D30] =	vst v63  }
0x4b: {  	p1 =	sne.s32 s30, $0xA800;
	s8 =	sadd.s32 $0x2C80, s29  }
0x4c: {  	[tilespmem:s22], [sflag:$0x4] =	stream.indirect.gather [spmem:s2], $0x30, s8, s18, $0xb8;
	[tilespmem:$0x12D30] =	vst v63  }
0x4d: {  	_ =	swait.ge [sflag:s23], $0x1800  }
0x4e: {  	[sflag:s23] =	ssyncset.done $0x0  }
0x4f: {  	[sflag:s23] =	ssyncadd.s32 $0xFFFFE800  }
0x50: {  	_ =	swait.ge [sflag:s24], $0x1800  }
0x51: {  	[sflag:s24] =	ssyncset.done $0x0  }
0x52: {  	s8 =	sadd.s32 s0, s4;
	[sflag:s24] =	ssyncadd.s32 $0xFFFFE800  }
0x53: {  	[hbm4b:s8+s25] =	stream.strided.scatter [tilespmem:s19], [sflag:$0x5], $0x1800, s18, s25, $0x38;
	[tilespmem:$0x12D30] =	vst v63  }
0x54: {  	_ =	swait.ge [sflag:s16], $0x1800  }
0x55: {  	[sflag:s16] =	ssyncset.done $0x0  }
0x56: {  	s8 =	sadd.s32 s0, s5;
	[sflag:s16] =	ssyncadd.s32 $0xFFFFE800  }
0x57: {  	[hbm4b:s8+s25] =	stream.strided.scatter [tilespmem:s20], [sflag:$0x5], $0x1800, s18, s25, $0x38;
	[tilespmem:$0x12D30] =	vst v63  }
0x58: {  	_ =	swait.ge [sflag:s16], $0x1800  }
0x59: {  	[sflag:s16] =	ssyncset.done $0x0  }
0x5a: {  	s8 =	sadd.s32 $0x100, s29;
	[sflag:s16] =	ssyncadd.s32 $0xFFFFE800  }
0x5b: {  	[tilespmem:s19], [sflag:$0x1] =	stream.indirect.gather [spmem:s2], $0x30, s8, s18, $0xb8;
	[tilespmem:$0x12D30] =	vst v63  }
0x5c: {  	s8 =	sadd.s32 $0x2D00, s29  }
0x5d: {  	[tilespmem:s20], [sflag:$0x2] =	stream.indirect.gather [spmem:s2], $0x30, s8, s18, $0xb8;
	[tilespmem:$0x12D30] =	vst v63  }
0x5e: {  	_ =	swait.ge [sflag:s26], $0x1800  }
0x5f: {  	[sflag:s26] =	ssyncset.done $0x0  }
0x60: {  	[sflag:s26] =	ssyncadd.s32 $0xFFFFE800  }
0x61: {  	_ =	swait.ge [sflag:s28], $0x1800  }
0x62: {  	[sflag:s28] =	ssyncset.done $0x0  }
0x63: {  	s8 =	sadd.s32 s1, s4;
	[sflag:s28] =	ssyncadd.s32 $0xFFFFE800  }
0x64: {  	[hbm4b:s8+s25] =	stream.strided.scatter [tilespmem:s21], [sflag:$0x5], $0x1800, s18, s25, $0x38;
	[tilespmem:$0x12D30] =	vst v63  }
0x65: {  	_ =	swait.ge [sflag:s16], $0x1800  }
.Ltmp0:
0x66: {  	[sflag:s16] =	ssyncset.done $0x0;
	(pc) =	sbr.rel @p1 .LBB2_2-.Ltmp0, $4  }
0x67: {  	s8 =	sadd.s32 s1, s5;
	[sflag:s16] =	ssyncadd.s32 $0xFFFFE800  }
0x68: {  	[hbm4b:s8+s25] =	stream.strided.scatter [tilespmem:s22], [sflag:$0x5], $0x1800, s18, s25, $0x38;
	[tilespmem:$0x12D30] =	vst v63  }
0x69: {  	s30 =	smov.u32 s7;
	s0 =	sadd.s32 $0x1000, s0;
	_ =	swait.ge [sflag:s16], $0x1800  }
0x6a: {  	s29 =	sshra.s32 s6, $0x2;
	s1 =	sadd.s32 $0x1000, s1;
	[sflag:s16] =	ssyncset.done $0x0  }
0x6b: {  	s6 =	sadd.s32 $0x80, s29;
	[sflag:s16] =	ssyncadd.s32 $0xFFFFE800  }
0x6c: {  	[tilespmem:s21], [sflag:$0x3] =	stream.indirect.gather [spmem:s2], $0x30, s6, s18, $0xb8;
	[tilespmem:$0x12D30] =	vst v63  }
0x6d: {  	s8 =	sadd.s32 $0x2C80, s29  }
0x6e: {  	[tilespmem:s22], [sflag:$0x4] =	stream.indirect.gather [spmem:s2], $0x30, s8, s18, $0xb8;
	[tilespmem:$0x12D30] =	vst v63  }
0x6f: {  	_ =	swait.ge [sflag:s23], $0x1800  }
0x70: {  	[sflag:s23] =	ssyncset.done $0x0  }
0x71: {  	[sflag:s23] =	ssyncadd.s32 $0xFFFFE800  }
0x72: {  	_ =	swait.ge [sflag:s24], $0x1800  }
0x73: {  	[sflag:s24] =	ssyncset.done $0x0  }
0x74: {  	s30 =	sadd.s32 s0, s4;
	[sflag:s24] =	ssyncadd.s32 $0xFFFFE800  }
0x75: {  	[hbm4b:s30+s25] =	stream.strided.scatter [tilespmem:s19], [sflag:$0x5], $0x1800, s18, s25, $0x38;
	[tilespmem:$0x12D30] =	vst v63  }
0x76: {  	_ =	swait.ge [sflag:s16], $0x1800  }
0x77: {  	[sflag:s16] =	ssyncset.done $0x0  }
0x78: {  	s7 =	sadd.s32 s0, s5;
	[sflag:s16] =	ssyncadd.s32 $0xFFFFE800  }
0x79: {  	[hbm4b:s7+s25] =	stream.strided.scatter [tilespmem:s20], [sflag:$0x5], $0x1800, s18, s25, $0x38;
	[tilespmem:$0x12D30] =	vst v63  }
0x7a: {  	_ =	swait.ge [sflag:s16], $0x1800  }
0x7b: {  	[sflag:s16] =	ssyncset.done $0x0  }
0x7c: {  	s8 =	sadd.s32 $0x100, s29;
	[sflag:s16] =	ssyncadd.s32 $0xFFFFE800  }
0x7d: {  	[tilespmem:s19], [sflag:$0x1] =	stream.indirect.gather [spmem:s2], $0x30, s8, s18, $0xb8;
	[tilespmem:$0x12D30] =	vst v63  }
0x7e: {  	s30 =	sadd.s32 $0x2D00, s29  }
0x7f: {  	[tilespmem:s20], [sflag:$0x2] =	stream.indirect.gather [spmem:s2], $0x30, s30, s18, $0xb8;
	[tilespmem:$0x12D30] =	vst v63  }
0x80: {  	_ =	swait.ge [sflag:s26], $0x1800  }
0x81: {  	[sflag:s26] =	ssyncset.done $0x0  }
0x82: {  	[sflag:s26] =	ssyncadd.s32 $0xFFFFE800  }
0x83: {  	_ =	swait.ge [sflag:s28], $0x1800  }
0x84: {  	[sflag:s28] =	ssyncset.done $0x0  }
0x85: {  	s6 =	sadd.s32 s1, s4;
	[sflag:s28] =	ssyncadd.s32 $0xFFFFE800  }
0x86: {  	[hbm4b:s6+s25] =	stream.strided.scatter [tilespmem:s21], [sflag:$0x5], $0x1800, s18, s25, $0x38;
	[tilespmem:$0x12D30] =	vst v63  }
0x87: {  	_ =	swait.ge [sflag:s16], $0x1800  }
0x88: {  	[sflag:s16] =	ssyncset.done $0x0  }
0x89: {  	s7 =	sadd.s32 s1, s5;
	[sflag:s16] =	ssyncadd.s32 $0xFFFFE800  }
0x8a: {  	[hbm4b:s7+s25] =	stream.strided.scatter [tilespmem:s22], [sflag:$0x5], $0x1800, s18, s25, $0x38;
	[tilespmem:$0x12D30] =	vst v63  }
0x8b: {  	_ =	swait.ge [sflag:s16], $0x1800  }
0x8c: {  	[sflag:s16] =	ssyncset.done $0x0  }
0x8d: {  	s8 =	simm.s32 $0x2B80;
	[sflag:s16] =	ssyncadd.s32 $0xFFFFE800  }
0x8e: {  	[tilespmem:s21], [sflag:$0x3] =	stream.indirect.gather [spmem:s2], $0x30, s8, s18, $0xb8;
	[tilespmem:$0x12D30] =	vst v63  }
0x8f: {  	s29 =	simm.s32 $0x5780  }
0x90: {  	[tilespmem:s22], [sflag:$0x4] =	stream.indirect.gather [spmem:s2], $0x30, s29, s18, $0xb8;
	[tilespmem:$0x12D30] =	vst v63  }
0x91: {  	_ =	swait.ge [sflag:s23], $0x1800  }
0x92: {  	[sflag:s23] =	ssyncset.done $0x0  }
0x93: {  	[sflag:s23] =	ssyncadd.s32 $0xFFFFE800  }
0x94: {  	_ =	swait.ge [sflag:s24], $0x1800  }
0x95: {  	[sflag:s24] =	ssyncset.done $0x0  }
0x96: {  	s30 =	rddreg [dreg:$0x6];
	[sflag:s24] =	ssyncadd.s32 $0xFFFFE800  }
0x97: {  	[hbm4b:s30+s25] =	stream.strided.scatter [tilespmem:s19], [sflag:$0x5], $0x1800, s18, s25, $0x38;
	[tilespmem:$0x12D30] =	vst v63  }
0x98: {  	_ =	swait.ge [sflag:s16], $0x1800  }
0x99: {  	[sflag:s16] =	ssyncset.done $0x0  }
0x9a: {  	[sflag:s16] =	ssyncadd.s32 $0xFFFFE800  }
0x9b: {  	[hbm4b:s9+s25] =	stream.strided.scatter [tilespmem:s20], [sflag:$0x5], $0x1800, s18, s25, $0x38;
	[tilespmem:$0x12D30] =	vst v63  }
0x9c: {  	_ =	swait.ge [sflag:s16], $0x1800  }
0x9d: {  	[sflag:s16] =	ssyncset.done $0x0  }
0x9e: {  	[sflag:s16] =	ssyncadd.s32 $0xFFFFE800  }
0x9f: {  	_ =	swait.ge [sflag:s26], $0x1800  }
0xa0: {  	[sflag:s26] =	ssyncset.done $0x0  }
0xa1: {  	[sflag:s26] =	ssyncadd.s32 $0xFFFFE800  }
0xa2: {  	_ =	swait.ge [sflag:s28], $0x1800  }
0xa3: {  	[sflag:s28] =	ssyncset.done $0x0  }
0xa4: {  	[sflag:s28] =	ssyncadd.s32 $0xFFFFE800  }
0xa5: {  	[hbm4b:s10+s25] =	stream.strided.scatter [tilespmem:s21], [sflag:$0x5], $0x1800, s18, s25, $0x38;
	[tilespmem:$0x12D30] =	vst v63  }
0xa6: {  	s31 =	sadd.s32 $0x1, s31;
	_ =	swait.ge [sflag:s16], $0x1800  }
0xa7: {  	p1 =	sne.s32 s31, s12;
	[sflag:s16] =	ssyncset.done $0x0  }
.Ltmp1:
0xa8: {  	[sflag:s16] =	ssyncadd.s32 $0xFFFFE800;
	(pc) =	sbr.rel @p1 .LBB2_1-.Ltmp1, $4  }
0xa9: {  	[hbm4b:s11+s25] =	stream.strided.scatter [tilespmem:s22], [sflag:$0x5], $0x1800, s18, s25, $0x38;
	[tilespmem:$0x12D30] =	vst v63  }
0xaa: {  	_ =	swait.ge [sflag:s16], $0x1800  }
0xab: {  	[sflag:s16] =	ssyncset.done $0x0  }
0xac: {  	[sflag:s16] =	ssyncadd.s32 $0xFFFFE800  }
0xad: {  	_ =	sfence.sel $0x180000  }
0xae: {  	[bflag:$0x0] =	sbarrier.arrive $0xFFFF  }
0xaf: {  	_ =	strace $0x90000047  }
0xb0: {  	[bflag:$0x2] =	sbarrier.arrive $0xFFFF  }
0xb1: {  	s0 =	rddreg [dreg:$0x3]  }
0xb2: {  	s0 =	sadd.s32 @!p0 $0x100000, s0  }
0xb3: {  	[sflag:s0] =	ssyncadd.tile.s32 @!p0 $0x1;
	_ =	shalt  }
.Lfunc_end2:
_tile_overlayer_lowered:
.L_overlay_start_2:
0xb4: {  	(tag) =	ssettag $0x2  }
0xb5: {  	s0 =	rddreg [dreg:$0x0];
	s2 =	stileid.u32  }
0xb6: {  	s1 =	rddreg [dreg:$0x1];
	p0 =	sne.s32 s2, $0x0  }
0xb7: {  	s3 =	rddreg [dreg:$0x2];
	[bflag:$0x3] =	sbarrier.arrive $0xFFFF;
	s2 =	simm.s32 @!p0 $0x1C05  }
0xb8: {  	[timem:s3], [sflag:s2] =	dma.local @!p0 [hbm:s0], s1  }
0xb9: {  	s0 =	simm.s32 @!p0 $0x5  }
0xba: {  	_ =	swait.ge @!p0 [sflag:s0], s1  }
0xbb: {  	s1 =	ssub.s32 @!p0 $0x0, s1;
	[sflag:s0] =	ssyncset.done @!p0 $0x0  }
0xbc: {  	[sflag:s0] =	ssyncadd.s32 @!p0 s1  }
0xbd: {  	[bflag:$0x3] =	sbarrier.arrive $0xFFFF  }
0xbe: {  	_ =	shalt  }

</sc_bundles>
